<compile_context>
chip_gen: v7x
topology: tpu7x:2x2x1
jax: 0.10.2.dev20260603
libtpu: 0.0.44.dev20260713+nightly
codegen_flags: <defaults>
</compile_context>

<pallas_src>
import functools

import jax
import jax.numpy as jnp
from jax import lax
from jax.experimental import pallas as pl
from jax.experimental.pallas import tpu as pltpu
from jax.experimental.pallas import tpu_sc as plsc

N = 10000
E = 320000
D = 128
H = 128
C = 40

NC = 2
NS = 16
NW = NC * NS
EPW = E // NW
CH = 80
NCH = EPW // CH
RPT = 624
RREM = N - NS * RPT

_MESH = plsc.VectorSubcoreMesh(
    core_axis_name="c", subcore_axis_name="s", num_cores=NC, num_subcores=NS)


@functools.partial(
    pl.kernel,
    out_type=jax.ShapeDtypeStruct((NC, N, D), jnp.float32),
    mesh=_MESH,
    scratch_types=[
        pltpu.VMEM((NCH, CH), jnp.int32),
        pltpu.VMEM((NCH, CH), jnp.int32),
        pltpu.VMEM((CH, D), jnp.float32),
        pltpu.VMEM_SHARED((N, D), jnp.float32),
        pltpu.SemaphoreType.DMA,
    ],
)
def _seg_sum(table_hbm, src_hbm, dst_hbm, out_hbm,
             src_v, dst_v, rows_v, acc_sh, sem):
    cid = lax.axis_index("c")
    sid = lax.axis_index("s")
    wid = sid * NC + cid
    row0 = sid * RPT

    pltpu.sync_copy(table_hbm.at[pl.ds(row0, RPT)], acc_sh.at[pl.ds(row0, RPT)])

    @pl.when(sid == NS - 1)
    def _():
        pltpu.sync_copy(table_hbm.at[pl.ds(NS * RPT, RREM)],
                        acc_sh.at[pl.ds(NS * RPT, RREM)])

    pltpu.sync_copy(src_hbm.at[wid], src_v)
    pltpu.sync_copy(dst_hbm.at[wid], dst_v)
    plsc.subcore_barrier()

    def chunk(i, _):
        pltpu.async_copy(table_hbm.at[src_v.at[i]], rows_v, sem).wait()
        pltpu.sync_copy(rows_v, acc_sh.at[dst_v.at[i]], add=True)
        return _

    lax.fori_loop(0, NCH, chunk, None)
    plsc.subcore_barrier()

    pltpu.sync_copy(acc_sh.at[pl.ds(row0, RPT)],
                    out_hbm.at[cid, pl.ds(row0, RPT)])

    @pl.when(sid == NS - 1)
    def _():
        pltpu.sync_copy(acc_sh.at[pl.ds(NS * RPT, RREM)],
                        out_hbm.at[cid, pl.ds(NS * RPT, RREM)])


_SQRT_HALF = 0.7071067811865476


def _mlp1_body(p_ref, t_ref, wa_ref, ba_ref, wb_ref, bb_ref, h0_ref, h_ref):
    u = p_ref[0] + p_ref[1] - t_ref[...]
    z = jnp.dot(u, wa_ref[...], preferred_element_type=jnp.float32) + ba_ref[...]
    g = 0.5 * z * (1.0 + lax.erf(z * _SQRT_HALF))
    h0 = jnp.dot(g, wb_ref[...], preferred_element_type=jnp.float32) + bb_ref[...]
    h0_ref[...] = h0
    h_ref[...] = jnp.maximum(h0, 0.0)


def _mlp2_body(p_ref, t_ref, wa_ref, ba_ref, wb_ref, bb_ref, h2_ref):
    u = p_ref[0] + p_ref[1] - t_ref[...]
    z = jnp.dot(u, wa_ref[...], preferred_element_type=jnp.float32) + ba_ref[...]
    g = 0.5 * z * (1.0 + lax.erf(z * _SQRT_HALF))
    h2_ref[...] = (
        jnp.dot(g, wb_ref[...], preferred_element_type=jnp.float32) + bb_ref[...])


BN = 1000


def _mlp1(p, t, wa, ba, wb, bb):
    return pl.pallas_call(
        _mlp1_body,
        grid=(N // BN,),
        in_specs=[
            pl.BlockSpec((NC, BN, D), lambda i: (0, i, 0)),
            pl.BlockSpec((BN, D), lambda i: (i, 0)),
            pl.BlockSpec((D, H), lambda i: (0, 0)),
            pl.BlockSpec((1, H), lambda i: (0, 0)),
            pl.BlockSpec((H, H), lambda i: (0, 0)),
            pl.BlockSpec((1, H), lambda i: (0, 0)),
        ],
        out_specs=[
            pl.BlockSpec((BN, H), lambda i: (i, 0)),
            pl.BlockSpec((BN, H), lambda i: (i, 0)),
        ],
        out_shape=[
            jax.ShapeDtypeStruct((N, H), jnp.float32),
            jax.ShapeDtypeStruct((N, H), jnp.float32),
        ],
    )(p, t, wa, ba.reshape(1, H), wb, bb.reshape(1, H))


def _mlp2(p, t, wa, ba, wb, bb):
    return pl.pallas_call(
        _mlp2_body,
        grid=(N // BN,),
        in_specs=[
            pl.BlockSpec((NC, BN, H), lambda i: (0, i, 0)),
            pl.BlockSpec((BN, H), lambda i: (i, 0)),
            pl.BlockSpec((H, H), lambda i: (0, 0)),
            pl.BlockSpec((1, H), lambda i: (0, 0)),
            pl.BlockSpec((H, C), lambda i: (0, 0)),
            pl.BlockSpec((1, C), lambda i: (0, 0)),
        ],
        out_specs=pl.BlockSpec((BN, C), lambda i: (i, 0)),
        out_shape=jax.ShapeDtypeStruct((N, C), jnp.float32),
    )(p, t, wa, ba.reshape(1, H), wb, bb.reshape(1, C))


def kernel(x, edge_index, W1a, b1a, W1b, b1b, W2a, b2a, W2b, b2b):
    e = edge_index.reshape(2, NW, NCH, CH)
    src, dst = e[0], e[1]
    p1 = _seg_sum(x, src, dst)
    h0, h = _mlp1(p1, x, W1a, b1a, W1b, b1b)
    p2 = _seg_sum(h, src, dst)
    h2 = _mlp2(p2, h, W2a, b2a, W2b, b2b)
    return (h2, h0)

# --- scband reference (transcript-rebuilt; emitter-appended) ---
"""Pipeline reference for scband-gcn-57724360458897 (READ-ONLY COPY).

The authoritative reference and input builder live on the scoring server;
editing this copy changes nothing except your own understanding.
"""

import jax, jax.numpy as jnp
import numpy as np

N = 10000
E = 320000
D = 128
H = 128
C = 40


def _glorot(key, shape):
    fan_in = shape[0]
    return jax.random.normal(key, shape, dtype=jnp.float32) * (1.0 / np.sqrt(fan_in))


def setup_inputs(seed: int = 0) -> dict:
    key = jax.random.key(seed)
    ks = jax.random.split(key, 12)
    x = jax.random.normal(ks[0], (N, D), dtype=jnp.float32)
    edge_index = jax.random.randint(ks[1], (2, E), 0, N, dtype=jnp.int32)
    W1a = _glorot(ks[2], (D, H)); b1a = jnp.zeros((H,), dtype=jnp.float32)
    W1b = _glorot(ks[3], (H, H)); b1b = jnp.zeros((H,), dtype=jnp.float32)
    W2a = _glorot(ks[4], (H, H)); b2a = jnp.zeros((H,), dtype=jnp.float32)
    W2b = _glorot(ks[5], (H, C)); b2b = jnp.zeros((C,), dtype=jnp.float32)
    return {"x": x, "edge_index": edge_index,
            "W1a": W1a, "b1a": b1a, "W1b": W1b, "b1b": b1b,
            "W2a": W2a, "b2a": b2a, "W2b": W2b, "b2b": b2b}


def _mlp(h, Wa, ba, Wb, bb):
    h = h @ Wa + ba
    h = jax.nn.gelu(h, approximate=False)
    return h @ Wb + bb


def reference(x, edge_index, W1a, b1a, W1b, b1b, W2a, b2a, W2b, b2b):
    # DGL GINConv with 'sum' aggregator and eps=0:
    #   out = MLP(x + segment_sum(x[src] scattered to dst))
    src = edge_index[0]
    dst = edge_index[1]
    # conv1
    agg1 = jax.ops.segment_sum(x[src], dst, num_segments=N)
    h0 = _mlp(x + agg1, W1a, b1a, W1b, b1b)
    h = jax.nn.relu(h0)
    # conv2
    agg2 = jax.ops.segment_sum(h[src], dst, num_segments=N)
    h2 = _mlp(h + agg2, W2a, b2a, W2b, b2b)
    return (h2, h0)

if __name__ == "__main__":
    import jax
    _d = setup_inputs()
    print(jax.jit(kernel)(*tuple(_d.values())))

</pallas_src>

<mosaic_0001>
#map = affine_map<(d0, d1) -> (0, 0)>
#map1 = affine_map<(d0, d1) -> (0, 0, 0)>
module attributes {stable_mosaic.version = 14 : i64} {
  func.func @_seg_sum(%arg0: i32, %arg1: i32, %arg2: memref<10000x128xf32, #tpu.memory_space<hbm>>, %arg3: memref<32x125x80xi32, #tpu.memory_space<hbm>>, %arg4: memref<32x125x80xi32, #tpu.memory_space<hbm>>, %arg5: memref<2x10000x128xf32, #tpu.memory_space<hbm>>, %arg6: memref<125x80xi32, #tpu.memory_space<vmem>>, %arg7: memref<125x80xi32, #tpu.memory_space<vmem>>, %arg8: memref<80x128xf32, #tpu.memory_space<vmem>>, %arg9: memref<10000x128xf32, #tpu.memory_space<vmem_shared>>, %arg10: memref<!tpu.dma_semaphore, #tpu.memory_space<semaphore_mem>>) attributes {dimension_semantics = [#tpu.dimension_semantics<core_parallel>, #tpu.dimension_semantics<subcore_parallel>], iteration_bounds = array<i64: 2, 16>, scalar_prefetch = 0 : i64, scratch_operands = 5 : i64, tpu.core_type = #tpu.core_type<sc_vector_subcore>, window_params = [{transform_indices = #map}, {transform_indices = #map1}, {transform_indices = #map1}, {transform_indices = #map1}]} {
    %mul3A = arith.constant 2 : i32
    %mul3A_0 = arith.muli %arg1, %mul3A : i32
    %add3A = arith.addi %mul3A_0, %arg0 : i32
    %mul3A_1 = arith.constant 624 : i32
    %mul3A_2 = arith.muli %arg1, %mul3A_1 : i32
    "tpu.region"() ({
      %run_scoped3A = tpu.sem_alloc : memref<!tpu.dma_semaphore, #tpu.memory_space<semaphore_mem>>
      %dma_start3A = arith.constant 0 : i32
      %dma_start3A_15 = tpu.memref_slice %arg9[%mul3A_2, %dma_start3A] : memref<10000x128xf32, #tpu.memory_space<vmem_shared>> -> memref<624x128xf32, #tpu.memory_space<vmem_shared>>
      %dma_start3A_16 = arith.constant 0 : i32
      %dma_start3A_17 = tpu.memref_slice %arg2[%mul3A_2, %dma_start3A_16] : memref<10000x128xf32, #tpu.memory_space<hbm>> -> memref<624x128xf32, #tpu.memory_space<hbm>>
      tpu.enqueue_dma source(%dma_start3A_17 : memref<624x128xf32, #tpu.memory_space<hbm>>) target(%dma_start3A_15 : memref<624x128xf32, #tpu.memory_space<vmem_shared>>) target_semaphore(%run_scoped3A : memref<!tpu.dma_semaphore, #tpu.memory_space<semaphore_mem>>)
      %dma_wait3A = arith.constant 0 : i32
      %dma_wait3A_18 = tpu.memref_slice %arg9[%mul3A_2, %dma_wait3A] : memref<10000x128xf32, #tpu.memory_space<vmem_shared>> -> memref<624x128xf32, #tpu.memory_space<vmem_shared>>
      %dma_wait3A_19 = arith.constant 0 : i32
      %dma_wait3A_20 = tpu.memref_slice %arg2[%mul3A_2, %dma_wait3A_19] : memref<10000x128xf32, #tpu.memory_space<hbm>> -> memref<624x128xf32, #tpu.memory_space<hbm>>
      tpu.wait_dma2 semaphore(%run_scoped3A : memref<!tpu.dma_semaphore, #tpu.memory_space<semaphore_mem>>) src(%dma_wait3A_20 : memref<624x128xf32, #tpu.memory_space<hbm>>) dst(%dma_wait3A_18 : memref<624x128xf32, #tpu.memory_space<vmem_shared>>)
      tpu.yield
    }) : () -> ()
    %eq3A = arith.constant 15 : i32
    %eq3A_3 = arith.cmpi eq, %arg1, %eq3A : i32
    %convert_element_type3A = arith.extui %eq3A_3 : i1 to i32
    %cond3A = arith.constant 0 : i32
    %cond3A_4 = arith.cmpi ne, %convert_element_type3A, %cond3A : i32
    scf.if %cond3A_4 {
      "tpu.region"() ({
        %run_scoped3A = tpu.sem_alloc : memref<!tpu.dma_semaphore, #tpu.memory_space<semaphore_mem>>
        %dma_start3A = arith.constant 9984 : i32
        %dma_start3A_15 = arith.constant 0 : i32
        %dma_start3A_16 = tpu.memref_slice %arg9[%dma_start3A, %dma_start3A_15] : memref<10000x128xf32, #tpu.memory_space<vmem_shared>> -> memref<16x128xf32, #tpu.memory_space<vmem_shared>>
        %dma_start3A_17 = arith.constant 9984 : i32
        %dma_start3A_18 = arith.constant 0 : i32
        %dma_start3A_19 = tpu.memref_slice %arg2[%dma_start3A_17, %dma_start3A_18] : memref<10000x128xf32, #tpu.memory_space<hbm>> -> memref<16x128xf32, #tpu.memory_space<hbm>>
        tpu.enqueue_dma source(%dma_start3A_19 : memref<16x128xf32, #tpu.memory_space<hbm>>) target(%dma_start3A_16 : memref<16x128xf32, #tpu.memory_space<vmem_shared>>) target_semaphore(%run_scoped3A : memref<!tpu.dma_semaphore, #tpu.memory_space<semaphore_mem>>)
        %dma_wait3A = arith.constant 9984 : i32
        %dma_wait3A_20 = arith.constant 0 : i32
        %dma_wait3A_21 = tpu.memref_slice %arg9[%dma_wait3A, %dma_wait3A_20] : memref<10000x128xf32, #tpu.memory_space<vmem_shared>> -> memref<16x128xf32, #tpu.memory_space<vmem_shared>>
        %dma_wait3A_22 = arith.constant 9984 : i32
        %dma_wait3A_23 = arith.constant 0 : i32
        %dma_wait3A_24 = tpu.memref_slice %arg2[%dma_wait3A_22, %dma_wait3A_23] : memref<10000x128xf32, #tpu.memory_space<hbm>> -> memref<16x128xf32, #tpu.memory_space<hbm>>
        tpu.wait_dma2 semaphore(%run_scoped3A : memref<!tpu.dma_semaphore, #tpu.memory_space<semaphore_mem>>) src(%dma_wait3A_24 : memref<16x128xf32, #tpu.memory_space<hbm>>) dst(%dma_wait3A_21 : memref<16x128xf32, #tpu.memory_space<vmem_shared>>)
        tpu.yield
      }) : () -> ()
    } else {
    }
    "tpu.region"() ({
      %run_scoped3A = tpu.sem_alloc : memref<!tpu.dma_semaphore, #tpu.memory_space<semaphore_mem>>
      %dma_start3A = arith.constant 0 : i32
      %dma_start3A_15 = arith.constant 0 : i32
      %dma_start3A_16 = tpu.memref_slice %arg3[%add3A, %dma_start3A, %dma_start3A_15] : memref<32x125x80xi32, #tpu.memory_space<hbm>> -> memref<1x125x80xi32, #tpu.memory_space<hbm>>
      %dma_start3A_17 = tpu.memref_squeeze %dma_start3A_16 : memref<1x125x80xi32, #tpu.memory_space<hbm>> -> memref<125x80xi32, #tpu.memory_space<hbm>>
      %dma_start3A_18 = arith.constant 0 : i32
      %dma_start3A_19 = arith.constant 0 : i32
      %dma_start3A_20 = tpu.memref_slice %arg3[%add3A, %dma_start3A_18, %dma_start3A_19] : memref<32x125x80xi32, #tpu.memory_space<hbm>> -> memref<1x125x80xi32, #tpu.memory_space<hbm>>
      %dma_start3A_21 = tpu.memref_squeeze %dma_start3A_20 : memref<1x125x80xi32, #tpu.memory_space<hbm>> -> memref<125x80xi32, #tpu.memory_space<hbm>>
      tpu.enqueue_dma source(%dma_start3A_21 : memref<125x80xi32, #tpu.memory_space<hbm>>) target(%arg6 : memref<125x80xi32, #tpu.memory_space<vmem>>) target_semaphore(%run_scoped3A : memref<!tpu.dma_semaphore, #tpu.memory_space<semaphore_mem>>)
      %dma_wait3A = arith.constant 0 : i32
      %dma_wait3A_22 = arith.constant 0 : i32
      %dma_wait3A_23 = tpu.memref_slice %arg3[%add3A, %dma_wait3A, %dma_wait3A_22] : memref<32x125x80xi32, #tpu.memory_space<hbm>> -> memref<1x125x80xi32, #tpu.memory_space<hbm>>
      %dma_wait3A_24 = tpu.memref_squeeze %dma_wait3A_23 : memref<1x125x80xi32, #tpu.memory_space<hbm>> -> memref<125x80xi32, #tpu.memory_space<hbm>>
      %dma_wait3A_25 = arith.constant 0 : i32
      %dma_wait3A_26 = arith.constant 0 : i32
      %dma_wait3A_27 = tpu.memref_slice %arg3[%add3A, %dma_wait3A_25, %dma_wait3A_26] : memref<32x125x80xi32, #tpu.memory_space<hbm>> -> memref<1x125x80xi32, #tpu.memory_space<hbm>>
      %dma_wait3A_28 = tpu.memref_squeeze %dma_wait3A_27 : memref<1x125x80xi32, #tpu.memory_space<hbm>> -> memref<125x80xi32, #tpu.memory_space<hbm>>
      tpu.wait_dma2 semaphore(%run_scoped3A : memref<!tpu.dma_semaphore, #tpu.memory_space<semaphore_mem>>) src(%dma_wait3A_28 : memref<125x80xi32, #tpu.memory_space<hbm>>) dst(%arg6 : memref<125x80xi32, #tpu.memory_space<vmem>>)
      tpu.yield
    }) : () -> ()
    "tpu.region"() ({
      %run_scoped3A = tpu.sem_alloc : memref<!tpu.dma_semaphore, #tpu.memory_space<semaphore_mem>>
      %dma_start3A = arith.constant 0 : i32
      %dma_start3A_15 = arith.constant 0 : i32
      %dma_start3A_16 = tpu.memref_slice %arg4[%add3A, %dma_start3A, %dma_start3A_15] : memref<32x125x80xi32, #tpu.memory_space<hbm>> -> memref<1x125x80xi32, #tpu.memory_space<hbm>>
      %dma_start3A_17 = tpu.memref_squeeze %dma_start3A_16 : memref<1x125x80xi32, #tpu.memory_space<hbm>> -> memref<125x80xi32, #tpu.memory_space<hbm>>
      %dma_start3A_18 = arith.constant 0 : i32
      %dma_start3A_19 = arith.constant 0 : i32
      %dma_start3A_20 = tpu.memref_slice %arg4[%add3A, %dma_start3A_18, %dma_start3A_19] : memref<32x125x80xi32, #tpu.memory_space<hbm>> -> memref<1x125x80xi32, #tpu.memory_space<hbm>>
      %dma_start3A_21 = tpu.memref_squeeze %dma_start3A_20 : memref<1x125x80xi32, #tpu.memory_space<hbm>> -> memref<125x80xi32, #tpu.memory_space<hbm>>
      tpu.enqueue_dma source(%dma_start3A_21 : memref<125x80xi32, #tpu.memory_space<hbm>>) target(%arg7 : memref<125x80xi32, #tpu.memory_space<vmem>>) target_semaphore(%run_scoped3A : memref<!tpu.dma_semaphore, #tpu.memory_space<semaphore_mem>>)
      %dma_wait3A = arith.constant 0 : i32
      %dma_wait3A_22 = arith.constant 0 : i32
      %dma_wait3A_23 = tpu.memref_slice %arg4[%add3A, %dma_wait3A, %dma_wait3A_22] : memref<32x125x80xi32, #tpu.memory_space<hbm>> -> memref<1x125x80xi32, #tpu.memory_space<hbm>>
      %dma_wait3A_24 = tpu.memref_squeeze %dma_wait3A_23 : memref<1x125x80xi32, #tpu.memory_space<hbm>> -> memref<125x80xi32, #tpu.memory_space<hbm>>
      %dma_wait3A_25 = arith.constant 0 : i32
      %dma_wait3A_26 = arith.constant 0 : i32
      %dma_wait3A_27 = tpu.memref_slice %arg4[%add3A, %dma_wait3A_25, %dma_wait3A_26] : memref<32x125x80xi32, #tpu.memory_space<hbm>> -> memref<1x125x80xi32, #tpu.memory_space<hbm>>
      %dma_wait3A_28 = tpu.memref_squeeze %dma_wait3A_27 : memref<1x125x80xi32, #tpu.memory_space<hbm>> -> memref<125x80xi32, #tpu.memory_space<hbm>>
      tpu.wait_dma2 semaphore(%run_scoped3A : memref<!tpu.dma_semaphore, #tpu.memory_space<semaphore_mem>>) src(%dma_wait3A_28 : memref<125x80xi32, #tpu.memory_space<hbm>>) dst(%arg7 : memref<125x80xi32, #tpu.memory_space<vmem>>)
      tpu.yield
    }) : () -> ()
    %barrier3A = arith.constant 0 : index
    tpu.barrier barrier_id(%barrier3A)
    %scan3A = arith.constant 0 : i32
    %scan3A_5 = arith.constant 125 : i32
    %scan3A_6 = arith.addi %scan3A, %scan3A_5 : i32
    %scan3A_7 = arith.constant 1 : i32
    scf.for %scan3A_15 = %scan3A to %scan3A_6 step %scan3A_7  : i32 {
      %dma_start3A = arith.constant 0 : i32
      %dma_start3A_16 = tpu.memref_slice %arg6[%scan3A_15, %dma_start3A] : memref<125x80xi32, #tpu.memory_space<vmem>> -> memref<1x80xi32, #tpu.memory_space<vmem>>
      %dma_start3A_17 = tpu.memref_squeeze %dma_start3A_16 : memref<1x80xi32, #tpu.memory_space<vmem>> -> memref<80xi32, #tpu.memory_space<vmem>>
      %dma_start3A_18 = arith.constant 0 : i32
      %dma_start3A_19 = arith.constant 0 : i32
      %dma_start3A_20 = tpu.memref_slice %arg2[%dma_start3A_18, %dma_start3A_19] : memref<10000x128xf32, #tpu.memory_space<hbm>> -> memref<10000x128xf32, #tpu.memory_space<hbm>>
      tpu.enqueue_indirect_dma source(%dma_start3A_20 : memref<10000x128xf32, #tpu.memory_space<hbm>>) target(%arg8 : memref<80x128xf32, #tpu.memory_space<vmem>>) offsets(%dma_start3A_17 : memref<80xi32, #tpu.memory_space<vmem>>) semaphore(%arg10 : memref<!tpu.dma_semaphore, #tpu.memory_space<semaphore_mem>>)
      %dma_wait3A = arith.constant 0 : i32
      %dma_wait3A_21 = tpu.memref_slice %arg6[%scan3A_15, %dma_wait3A] : memref<125x80xi32, #tpu.memory_space<vmem>> -> memref<1x80xi32, #tpu.memory_space<vmem>>
      %dma_wait3A_22 = tpu.memref_squeeze %dma_wait3A_21 : memref<1x80xi32, #tpu.memory_space<vmem>> -> memref<80xi32, #tpu.memory_space<vmem>>
      %dma_wait3A_23 = arith.constant 0 : i32
      %dma_wait3A_24 = arith.constant 0 : i32
      %dma_wait3A_25 = tpu.memref_slice %arg2[%dma_wait3A_23, %dma_wait3A_24] : memref<10000x128xf32, #tpu.memory_space<hbm>> -> memref<10000x128xf32, #tpu.memory_space<hbm>>
      tpu.wait_indirect_dma semaphore(%arg10 : memref<!tpu.dma_semaphore, #tpu.memory_space<semaphore_mem>>) src(%dma_wait3A_25 : memref<10000x128xf32, #tpu.memory_space<hbm>>) dst(%arg8 : memref<80x128xf32, #tpu.memory_space<vmem>>)
      "tpu.region"() ({
        %run_scoped3A = tpu.sem_alloc : memref<!tpu.dma_semaphore, #tpu.memory_space<semaphore_mem>>
        %dma_start3A_26 = arith.constant 0 : i32
        %dma_start3A_27 = tpu.memref_slice %arg7[%scan3A_15, %dma_start3A_26] : memref<125x80xi32, #tpu.memory_space<vmem>> -> memref<1x80xi32, #tpu.memory_space<vmem>>
        %dma_start3A_28 = tpu.memref_squeeze %dma_start3A_27 : memref<1x80xi32, #tpu.memory_space<vmem>> -> memref<80xi32, #tpu.memory_space<vmem>>
        %dma_start3A_29 = arith.constant 0 : i32
        %dma_start3A_30 = arith.constant 0 : i32
        %dma_start3A_31 = tpu.memref_slice %arg9[%dma_start3A_29, %dma_start3A_30] : memref<10000x128xf32, #tpu.memory_space<vmem_shared>> -> memref<10000x128xf32, #tpu.memory_space<vmem_shared>>
        tpu.enqueue_indirect_dma source(%arg8 : memref<80x128xf32, #tpu.memory_space<vmem>>) target(%dma_start3A_31 : memref<10000x128xf32, #tpu.memory_space<vmem_shared>>) offsets(%dma_start3A_28 : memref<80xi32, #tpu.memory_space<vmem>>) semaphore(%run_scoped3A : memref<!tpu.dma_semaphore, #tpu.memory_space<semaphore_mem>>) {add = true}
        %dma_wait3A_32 = arith.constant 0 : i32
        %dma_wait3A_33 = tpu.memref_slice %arg7[%scan3A_15, %dma_wait3A_32] : memref<125x80xi32, #tpu.memory_space<vmem>> -> memref<1x80xi32, #tpu.memory_space<vmem>>
        %dma_wait3A_34 = tpu.memref_squeeze %dma_wait3A_33 : memref<1x80xi32, #tpu.memory_space<vmem>> -> memref<80xi32, #tpu.memory_space<vmem>>
        %dma_wait3A_35 = arith.constant 0 : i32
        %dma_wait3A_36 = arith.constant 0 : i32
        %dma_wait3A_37 = tpu.memref_slice %arg9[%dma_wait3A_35, %dma_wait3A_36] : memref<10000x128xf32, #tpu.memory_space<vmem_shared>> -> memref<10000x128xf32, #tpu.memory_space<vmem_shared>>
        tpu.wait_indirect_dma semaphore(%run_scoped3A : memref<!tpu.dma_semaphore, #tpu.memory_space<semaphore_mem>>) src(%arg8 : memref<80x128xf32, #tpu.memory_space<vmem>>) dst(%dma_wait3A_37 : memref<10000x128xf32, #tpu.memory_space<vmem_shared>>)
        tpu.yield
      }) : () -> ()
    }
    %scan3A_8 = arith.constant 125 : i32
    %barrier3A_9 = arith.constant 0 : index
    tpu.barrier barrier_id(%barrier3A_9)
    "tpu.region"() ({
      %run_scoped3A = tpu.sem_alloc : memref<!tpu.dma_semaphore, #tpu.memory_space<semaphore_mem>>
      %dma_start3A = arith.constant 0 : i32
      %dma_start3A_15 = tpu.memref_slice %arg5[%arg0, %mul3A_2, %dma_start3A] : memref<2x10000x128xf32, #tpu.memory_space<hbm>> -> memref<1x624x128xf32, #tpu.memory_space<hbm>>
      %dma_start3A_16 = tpu.memref_squeeze %dma_start3A_15 : memref<1x624x128xf32, #tpu.memory_space<hbm>> -> memref<624x128xf32, #tpu.memory_space<hbm>>
      %dma_start3A_17 = arith.constant 0 : i32
      %dma_start3A_18 = tpu.memref_slice %arg9[%mul3A_2, %dma_start3A_17] : memref<10000x128xf32, #tpu.memory_space<vmem_shared>> -> memref<624x128xf32, #tpu.memory_space<vmem_shared>>
      tpu.enqueue_dma source(%dma_start3A_18 : memref<624x128xf32, #tpu.memory_space<vmem_shared>>) target(%dma_start3A_16 : memref<624x128xf32, #tpu.memory_space<hbm>>) target_semaphore(%run_scoped3A : memref<!tpu.dma_semaphore, #tpu.memory_space<semaphore_mem>>)
      %dma_wait3A = arith.constant 0 : i32
      %dma_wait3A_19 = tpu.memref_slice %arg5[%arg0, %mul3A_2, %dma_wait3A] : memref<2x10000x128xf32, #tpu.memory_space<hbm>> -> memref<1x624x128xf32, #tpu.memory_space<hbm>>
      %dma_wait3A_20 = tpu.memref_squeeze %dma_wait3A_19 : memref<1x624x128xf32, #tpu.memory_space<hbm>> -> memref<624x128xf32, #tpu.memory_space<hbm>>
      %dma_wait3A_21 = arith.constant 0 : i32
      %dma_wait3A_22 = tpu.memref_slice %arg9[%mul3A_2, %dma_wait3A_21] : memref<10000x128xf32, #tpu.memory_space<vmem_shared>> -> memref<624x128xf32, #tpu.memory_space<vmem_shared>>
      tpu.wait_dma2 semaphore(%run_scoped3A : memref<!tpu.dma_semaphore, #tpu.memory_space<semaphore_mem>>) src(%dma_wait3A_22 : memref<624x128xf32, #tpu.memory_space<vmem_shared>>) dst(%dma_wait3A_20 : memref<624x128xf32, #tpu.memory_space<hbm>>)
      tpu.yield
    }) : () -> ()
    %eq3A_10 = arith.constant 15 : i32
    %eq3A_11 = arith.cmpi eq, %arg1, %eq3A_10 : i32
    %convert_element_type3A_12 = arith.extui %eq3A_11 : i1 to i32
    %cond3A_13 = arith.constant 0 : i32
    %cond3A_14 = arith.cmpi ne, %convert_element_type3A_12, %cond3A_13 : i32
    scf.if %cond3A_14 {
      "tpu.region"() ({
        %run_scoped3A = tpu.sem_alloc : memref<!tpu.dma_semaphore, #tpu.memory_space<semaphore_mem>>
        %dma_start3A = arith.constant 9984 : i32
        %dma_start3A_15 = arith.constant 0 : i32
        %dma_start3A_16 = tpu.memref_slice %arg5[%arg0, %dma_start3A, %dma_start3A_15] : memref<2x10000x128xf32, #tpu.memory_space<hbm>> -> memref<1x16x128xf32, #tpu.memory_space<hbm>>
        %dma_start3A_17 = tpu.memref_squeeze %dma_start3A_16 : memref<1x16x128xf32, #tpu.memory_space<hbm>> -> memref<16x128xf32, #tpu.memory_space<hbm>>
        %dma_start3A_18 = arith.constant 9984 : i32
        %dma_start3A_19 = arith.constant 0 : i32
        %dma_start3A_20 = tpu.memref_slice %arg9[%dma_start3A_18, %dma_start3A_19] : memref<10000x128xf32, #tpu.memory_space<vmem_shared>> -> memref<16x128xf32, #tpu.memory_space<vmem_shared>>
        tpu.enqueue_dma source(%dma_start3A_20 : memref<16x128xf32, #tpu.memory_space<vmem_shared>>) target(%dma_start3A_17 : memref<16x128xf32, #tpu.memory_space<hbm>>) target_semaphore(%run_scoped3A : memref<!tpu.dma_semaphore, #tpu.memory_space<semaphore_mem>>)
        %dma_wait3A = arith.constant 9984 : i32
        %dma_wait3A_21 = arith.constant 0 : i32
        %dma_wait3A_22 = tpu.memref_slice %arg5[%arg0, %dma_wait3A, %dma_wait3A_21] : memref<2x10000x128xf32, #tpu.memory_space<hbm>> -> memref<1x16x128xf32, #tpu.memory_space<hbm>>
        %dma_wait3A_23 = tpu.memref_squeeze %dma_wait3A_22 : memref<1x16x128xf32, #tpu.memory_space<hbm>> -> memref<16x128xf32, #tpu.memory_space<hbm>>
        %dma_wait3A_24 = arith.constant 9984 : i32
        %dma_wait3A_25 = arith.constant 0 : i32
        %dma_wait3A_26 = tpu.memref_slice %arg9[%dma_wait3A_24, %dma_wait3A_25] : memref<10000x128xf32, #tpu.memory_space<vmem_shared>> -> memref<16x128xf32, #tpu.memory_space<vmem_shared>>
        tpu.wait_dma2 semaphore(%run_scoped3A : memref<!tpu.dma_semaphore, #tpu.memory_space<semaphore_mem>>) src(%dma_wait3A_26 : memref<16x128xf32, #tpu.memory_space<vmem_shared>>) dst(%dma_wait3A_23 : memref<16x128xf32, #tpu.memory_space<hbm>>)
        tpu.yield
      }) : () -> ()
    } else {
    }
    return
  }
}

#map = affine_map<(d0, d1) -> (0, 0)>
#map1 = affine_map<(d0, d1) -> (0, 0, 0)>
module attributes {stable_mosaic.version = 14 : i64} {
  func.func @_seg_sum(%arg0: i32, %arg1: i32, %arg2: memref<10000x128xf32, #tpu.memory_space<hbm>>, %arg3: memref<32x125x80xi32, #tpu.memory_space<hbm>>, %arg4: memref<32x125x80xi32, #tpu.memory_space<hbm>>, %arg5: memref<2x10000x128xf32, #tpu.memory_space<hbm>>, %arg6: memref<125x80xi32, #tpu.memory_space<vmem>>, %arg7: memref<125x80xi32, #tpu.memory_space<vmem>>, %arg8: memref<80x128xf32, #tpu.memory_space<vmem>>, %arg9: memref<10000x128xf32, #tpu.memory_space<vmem_shared>>, %arg10: memref<!tpu.dma_semaphore, #tpu.memory_space<semaphore_mem>>) attributes {dimension_semantics = [#tpu.dimension_semantics<core_parallel>, #tpu.dimension_semantics<subcore_parallel>], iteration_bounds = array<i64: 2, 16>, scalar_prefetch = 0 : i64, scratch_operands = 5 : i64, tpu.core_type = #tpu.core_type<sc_vector_subcore>, window_params = [{transform_indices = #map}, {transform_indices = #map1}, {transform_indices = #map1}, {transform_indices = #map1}]} {
    %mul3A = arith.constant 2 : i32
    %mul3A_0 = arith.muli %arg1, %mul3A : i32
    %add3A = arith.addi %mul3A_0, %arg0 : i32
    %mul3A_1 = arith.constant 624 : i32
    %mul3A_2 = arith.muli %arg1, %mul3A_1 : i32
    "tpu.region"() ({
      %run_scoped3A = tpu.sem_alloc : memref<!tpu.dma_semaphore, #tpu.memory_space<semaphore_mem>>
      %dma_start3A = arith.constant 0 : i32
      %dma_start3A_15 = tpu.memref_slice %arg9[%mul3A_2, %dma_start3A] : memref<10000x128xf32, #tpu.memory_space<vmem_shared>> -> memref<624x128xf32, #tpu.memory_space<vmem_shared>>
      %dma_start3A_16 = arith.constant 0 : i32
      %dma_start3A_17 = tpu.memref_slice %arg2[%mul3A_2, %dma_start3A_16] : memref<10000x128xf32, #tpu.memory_space<hbm>> -> memref<624x128xf32, #tpu.memory_space<hbm>>
      tpu.enqueue_dma source(%dma_start3A_17 : memref<624x128xf32, #tpu.memory_space<hbm>>) target(%dma_start3A_15 : memref<624x128xf32, #tpu.memory_space<vmem_shared>>) target_semaphore(%run_scoped3A : memref<!tpu.dma_semaphore, #tpu.memory_space<semaphore_mem>>)
      %dma_wait3A = arith.constant 0 : i32
      %dma_wait3A_18 = tpu.memref_slice %arg9[%mul3A_2, %dma_wait3A] : memref<10000x128xf32, #tpu.memory_space<vmem_shared>> -> memref<624x128xf32, #tpu.memory_space<vmem_shared>>
      %dma_wait3A_19 = arith.constant 0 : i32
      %dma_wait3A_20 = tpu.memref_slice %arg2[%mul3A_2, %dma_wait3A_19] : memref<10000x128xf32, #tpu.memory_space<hbm>> -> memref<624x128xf32, #tpu.memory_space<hbm>>
      tpu.wait_dma2 semaphore(%run_scoped3A : memref<!tpu.dma_semaphore, #tpu.memory_space<semaphore_mem>>) src(%dma_wait3A_20 : memref<624x128xf32, #tpu.memory_space<hbm>>) dst(%dma_wait3A_18 : memref<624x128xf32, #tpu.memory_space<vmem_shared>>)
      tpu.yield
    }) : () -> ()
    %eq3A = arith.constant 15 : i32
    %eq3A_3 = arith.cmpi eq, %arg1, %eq3A : i32
    %convert_element_type3A = arith.extui %eq3A_3 : i1 to i32
    %cond3A = arith.constant 0 : i32
    %cond3A_4 = arith.cmpi ne, %convert_element_type3A, %cond3A : i32
    scf.if %cond3A_4 {
      "tpu.region"() ({
        %run_scoped3A = tpu.sem_alloc : memref<!tpu.dma_semaphore, #tpu.memory_space<semaphore_mem>>
        %dma_start3A = arith.constant 9984 : i32
        %dma_start3A_15 = arith.constant 0 : i32
        %dma_start3A_16 = tpu.memref_slice %arg9[%dma_start3A, %dma_start3A_15] : memref<10000x128xf32, #tpu.memory_space<vmem_shared>> -> memref<16x128xf32, #tpu.memory_space<vmem_shared>>
        %dma_start3A_17 = arith.constant 9984 : i32
        %dma_start3A_18 = arith.constant 0 : i32
        %dma_start3A_19 = tpu.memref_slice %arg2[%dma_start3A_17, %dma_start3A_18] : memref<10000x128xf32, #tpu.memory_space<hbm>> -> memref<16x128xf32, #tpu.memory_space<hbm>>
        tpu.enqueue_dma source(%dma_start3A_19 : memref<16x128xf32, #tpu.memory_space<hbm>>) target(%dma_start3A_16 : memref<16x128xf32, #tpu.memory_space<vmem_shared>>) target_semaphore(%run_scoped3A : memref<!tpu.dma_semaphore, #tpu.memory_space<semaphore_mem>>)
        %dma_wait3A = arith.constant 9984 : i32
        %dma_wait3A_20 = arith.constant 0 : i32
        %dma_wait3A_21 = tpu.memref_slice %arg9[%dma_wait3A, %dma_wait3A_20] : memref<10000x128xf32, #tpu.memory_space<vmem_shared>> -> memref<16x128xf32, #tpu.memory_space<vmem_shared>>
        %dma_wait3A_22 = arith.constant 9984 : i32
        %dma_wait3A_23 = arith.constant 0 : i32
        %dma_wait3A_24 = tpu.memref_slice %arg2[%dma_wait3A_22, %dma_wait3A_23] : memref<10000x128xf32, #tpu.memory_space<hbm>> -> memref<16x128xf32, #tpu.memory_space<hbm>>
        tpu.wait_dma2 semaphore(%run_scoped3A : memref<!tpu.dma_semaphore, #tpu.memory_space<semaphore_mem>>) src(%dma_wait3A_24 : memref<16x128xf32, #tpu.memory_space<hbm>>) dst(%dma_wait3A_21 : memref<16x128xf32, #tpu.memory_space<vmem_shared>>)
        tpu.yield
      }) : () -> ()
    } else {
    }
    "tpu.region"() ({
      %run_scoped3A = tpu.sem_alloc : memref<!tpu.dma_semaphore, #tpu.memory_space<semaphore_mem>>
      %dma_start3A = arith.constant 0 : i32
      %dma_start3A_15 = arith.constant 0 : i32
      %dma_start3A_16 = tpu.memref_slice %arg3[%add3A, %dma_start3A, %dma_start3A_15] : memref<32x125x80xi32, #tpu.memory_space<hbm>> -> memref<1x125x80xi32, #tpu.memory_space<hbm>>
      %dma_start3A_17 = tpu.memref_squeeze %dma_start3A_16 : memref<1x125x80xi32, #tpu.memory_space<hbm>> -> memref<125x80xi32, #tpu.memory_space<hbm>>
      %dma_start3A_18 = arith.constant 0 : i32
      %dma_start3A_19 = arith.constant 0 : i32
      %dma_start3A_20 = tpu.memref_slice %arg3[%add3A, %dma_start3A_18, %dma_start3A_19] : memref<32x125x80xi32, #tpu.memory_space<hbm>> -> memref<1x125x80xi32, #tpu.memory_space<hbm>>
      %dma_start3A_21 = tpu.memref_squeeze %dma_start3A_20 : memref<1x125x80xi32, #tpu.memory_space<hbm>> -> memref<125x80xi32, #tpu.memory_space<hbm>>
      tpu.enqueue_dma source(%dma_start3A_21 : memref<125x80xi32, #tpu.memory_space<hbm>>) target(%arg6 : memref<125x80xi32, #tpu.memory_space<vmem>>) target_semaphore(%run_scoped3A : memref<!tpu.dma_semaphore, #tpu.memory_space<semaphore_mem>>)
      %dma_wait3A = arith.constant 0 : i32
      %dma_wait3A_22 = arith.constant 0 : i32
      %dma_wait3A_23 = tpu.memref_slice %arg3[%add3A, %dma_wait3A, %dma_wait3A_22] : memref<32x125x80xi32, #tpu.memory_space<hbm>> -> memref<1x125x80xi32, #tpu.memory_space<hbm>>
      %dma_wait3A_24 = tpu.memref_squeeze %dma_wait3A_23 : memref<1x125x80xi32, #tpu.memory_space<hbm>> -> memref<125x80xi32, #tpu.memory_space<hbm>>
      %dma_wait3A_25 = arith.constant 0 : i32
      %dma_wait3A_26 = arith.constant 0 : i32
      %dma_wait3A_27 = tpu.memref_slice %arg3[%add3A, %dma_wait3A_25, %dma_wait3A_26] : memref<32x125x80xi32, #tpu.memory_space<hbm>> -> memref<1x125x80xi32, #tpu.memory_space<hbm>>
      %dma_wait3A_28 = tpu.memref_squeeze %dma_wait3A_27 : memref<1x125x80xi32, #tpu.memory_space<hbm>> -> memref<125x80xi32, #tpu.memory_space<hbm>>
      tpu.wait_dma2 semaphore(%run_scoped3A : memref<!tpu.dma_semaphore, #tpu.memory_space<semaphore_mem>>) src(%dma_wait3A_28 : memref<125x80xi32, #tpu.memory_space<hbm>>) dst(%arg6 : memref<125x80xi32, #tpu.memory_space<vmem>>)
      tpu.yield
    }) : () -> ()
    "tpu.region"() ({
      %run_scoped3A = tpu.sem_alloc : memref<!tpu.dma_semaphore, #tpu.memory_space<semaphore_mem>>
      %dma_start3A = arith.constant 0 : i32
      %dma_start3A_15 = arith.constant 0 : i32
      %dma_start3A_16 = tpu.memref_slice %arg4[%add3A, %dma_start3A, %dma_start3A_15] : memref<32x125x80xi32, #tpu.memory_space<hbm>> -> memref<1x125x80xi32, #tpu.memory_space<hbm>>
      %dma_start3A_17 = tpu.memref_squeeze %dma_start3A_16 : memref<1x125x80xi32, #tpu.memory_space<hbm>> -> memref<125x80xi32, #tpu.memory_space<hbm>>
      %dma_start3A_18 = arith.constant 0 : i32
      %dma_start3A_19 = arith.constant 0 : i32
      %dma_start3A_20 = tpu.memref_slice %arg4[%add3A, %dma_start3A_18, %dma_start3A_19] : memref<32x125x80xi32, #tpu.memory_space<hbm>> -> memref<1x125x80xi32, #tpu.memory_space<hbm>>
      %dma_start3A_21 = tpu.memref_squeeze %dma_start3A_20 : memref<1x125x80xi32, #tpu.memory_space<hbm>> -> memref<125x80xi32, #tpu.memory_space<hbm>>
      tpu.enqueue_dma source(%dma_start3A_21 : memref<125x80xi32, #tpu.memory_space<hbm>>) target(%arg7 : memref<125x80xi32, #tpu.memory_space<vmem>>) target_semaphore(%run_scoped3A : memref<!tpu.dma_semaphore, #tpu.memory_space<semaphore_mem>>)
      %dma_wait3A = arith.constant 0 : i32
      %dma_wait3A_22 = arith.constant 0 : i32
      %dma_wait3A_23 = tpu.memref_slice %arg4[%add3A, %dma_wait3A, %dma_wait3A_22] : memref<32x125x80xi32, #tpu.memory_space<hbm>> -> memref<1x125x80xi32, #tpu.memory_space<hbm>>
      %dma_wait3A_24 = tpu.memref_squeeze %dma_wait3A_23 : memref<1x125x80xi32, #tpu.memory_space<hbm>> -> memref<125x80xi32, #tpu.memory_space<hbm>>
      %dma_wait3A_25 = arith.constant 0 : i32
      %dma_wait3A_26 = arith.constant 0 : i32
      %dma_wait3A_27 = tpu.memref_slice %arg4[%add3A, %dma_wait3A_25, %dma_wait3A_26] : memref<32x125x80xi32, #tpu.memory_space<hbm>> -> memref<1x125x80xi32, #tpu.memory_space<hbm>>
      %dma_wait3A_28 = tpu.memref_squeeze %dma_wait3A_27 : memref<1x125x80xi32, #tpu.memory_space<hbm>> -> memref<125x80xi32, #tpu.memory_space<hbm>>
      tpu.wait_dma2 semaphore(%run_scoped3A : memref<!tpu.dma_semaphore, #tpu.memory_space<semaphore_mem>>) src(%dma_wait3A_28 : memref<125x80xi32, #tpu.memory_space<hbm>>) dst(%arg7 : memref<125x80xi32, #tpu.memory_space<vmem>>)
      tpu.yield
    }) : () -> ()
    %barrier3A = arith.constant 0 : index
    tpu.barrier barrier_id(%barrier3A)
    %scan3A = arith.constant 0 : i32
    %scan3A_5 = arith.constant 125 : i32
    %scan3A_6 = arith.addi %scan3A, %scan3A_5 : i32
    %scan3A_7 = arith.constant 1 : i32
    scf.for %scan3A_15 = %scan3A to %scan3A_6 step %scan3A_7  : i32 {
      %dma_start3A = arith.constant 0 : i32
      %dma_start3A_16 = tpu.memref_slice %arg6[%scan3A_15, %dma_start3A] : memref<125x80xi32, #tpu.memory_space<vmem>> -> memref<1x80xi32, #tpu.memory_space<vmem>>
      %dma_start3A_17 = tpu.memref_squeeze %dma_start3A_16 : memref<1x80xi32, #tpu.memory_space<vmem>> -> memref<80xi32, #tpu.memory_space<vmem>>
      %dma_start3A_18 = arith.constant 0 : i32
      %dma_start3A_19 = arith.constant 0 : i32
      %dma_start3A_20 = tpu.memref_slice %arg2[%dma_start3A_18, %dma_start3A_19] : memref<10000x128xf32, #tpu.memory_space<hbm>> -> memref<10000x128xf32, #tpu.memory_space<hbm>>
      tpu.enqueue_indirect_dma source(%dma_start3A_20 : memref<10000x128xf32, #tpu.memory_space<hbm>>) target(%arg8 : memref<80x128xf32, #tpu.memory_space<vmem>>) offsets(%dma_start3A_17 : memref<80xi32, #tpu.memory_space<vmem>>) semaphore(%arg10 : memref<!tpu.dma_semaphore, #tpu.memory_space<semaphore_mem>>)
      %dma_wait3A = arith.constant 0 : i32
      %dma_wait3A_21 = tpu.memref_slice %arg6[%scan3A_15, %dma_wait3A] : memref<125x80xi32, #tpu.memory_space<vmem>> -> memref<1x80xi32, #tpu.memory_space<vmem>>
      %dma_wait3A_22 = tpu.memref_squeeze %dma_wait3A_21 : memref<1x80xi32, #tpu.memory_space<vmem>> -> memref<80xi32, #tpu.memory_space<vmem>>
      %dma_wait3A_23 = arith.constant 0 : i32
      %dma_wait3A_24 = arith.constant 0 : i32
      %dma_wait3A_25 = tpu.memref_slice %arg2[%dma_wait3A_23, %dma_wait3A_24] : memref<10000x128xf32, #tpu.memory_space<hbm>> -> memref<10000x128xf32, #tpu.memory_space<hbm>>
      tpu.wait_indirect_dma semaphore(%arg10 : memref<!tpu.dma_semaphore, #tpu.memory_space<semaphore_mem>>) src(%dma_wait3A_25 : memref<10000x128xf32, #tpu.memory_space<hbm>>) dst(%arg8 : memref<80x128xf32, #tpu.memory_space<vmem>>)
      "tpu.region"() ({
        %run_scoped3A = tpu.sem_alloc : memref<!tpu.dma_semaphore, #tpu.memory_space<semaphore_mem>>
        %dma_start3A_26 = arith.constant 0 : i32
        %dma_start3A_27 = tpu.memref_slice %arg7[%scan3A_15, %dma_start3A_26] : memref<125x80xi32, #tpu.memory_space<vmem>> -> memref<1x80xi32, #tpu.memory_space<vmem>>
        %dma_start3A_28 = tpu.memref_squeeze %dma_start3A_27 : memref<1x80xi32, #tpu.memory_space<vmem>> -> memref<80xi32, #tpu.memory_space<vmem>>
        %dma_start3A_29 = arith.constant 0 : i32
        %dma_start3A_30 = arith.constant 0 : i32
        %dma_start3A_31 = tpu.memref_slice %arg9[%dma_start3A_29, %dma_start3A_30] : memref<10000x128xf32, #tpu.memory_space<vmem_shared>> -> memref<10000x128xf32, #tpu.memory_space<vmem_shared>>
        tpu.enqueue_indirect_dma source(%arg8 : memref<80x128xf32, #tpu.memory_space<vmem>>) target(%dma_start3A_31 : memref<10000x128xf32, #tpu.memory_space<vmem_shared>>) offsets(%dma_start3A_28 : memref<80xi32, #tpu.memory_space<vmem>>) semaphore(%run_scoped3A : memref<!tpu.dma_semaphore, #tpu.memory_space<semaphore_mem>>) {add = true}
        %dma_wait3A_32 = arith.constant 0 : i32
        %dma_wait3A_33 = tpu.memref_slice %arg7[%scan3A_15, %dma_wait3A_32] : memref<125x80xi32, #tpu.memory_space<vmem>> -> memref<1x80xi32, #tpu.memory_space<vmem>>
        %dma_wait3A_34 = tpu.memref_squeeze %dma_wait3A_33 : memref<1x80xi32, #tpu.memory_space<vmem>> -> memref<80xi32, #tpu.memory_space<vmem>>
        %dma_wait3A_35 = arith.constant 0 : i32
        %dma_wait3A_36 = arith.constant 0 : i32
        %dma_wait3A_37 = tpu.memref_slice %arg9[%dma_wait3A_35, %dma_wait3A_36] : memref<10000x128xf32, #tpu.memory_space<vmem_shared>> -> memref<10000x128xf32, #tpu.memory_space<vmem_shared>>
        tpu.wait_indirect_dma semaphore(%run_scoped3A : memref<!tpu.dma_semaphore, #tpu.memory_space<semaphore_mem>>) src(%arg8 : memref<80x128xf32, #tpu.memory_space<vmem>>) dst(%dma_wait3A_37 : memref<10000x128xf32, #tpu.memory_space<vmem_shared>>)
        tpu.yield
      }) : () -> ()
    }
    %scan3A_8 = arith.constant 125 : i32
    %barrier3A_9 = arith.constant 0 : index
    tpu.barrier barrier_id(%barrier3A_9)
    "tpu.region"() ({
      %run_scoped3A = tpu.sem_alloc : memref<!tpu.dma_semaphore, #tpu.memory_space<semaphore_mem>>
      %dma_start3A = arith.constant 0 : i32
      %dma_start3A_15 = tpu.memref_slice %arg5[%arg0, %mul3A_2, %dma_start3A] : memref<2x10000x128xf32, #tpu.memory_space<hbm>> -> memref<1x624x128xf32, #tpu.memory_space<hbm>>
      %dma_start3A_16 = tpu.memref_squeeze %dma_start3A_15 : memref<1x624x128xf32, #tpu.memory_space<hbm>> -> memref<624x128xf32, #tpu.memory_space<hbm>>
      %dma_start3A_17 = arith.constant 0 : i32
      %dma_start3A_18 = tpu.memref_slice %arg9[%mul3A_2, %dma_start3A_17] : memref<10000x128xf32, #tpu.memory_space<vmem_shared>> -> memref<624x128xf32, #tpu.memory_space<vmem_shared>>
      tpu.enqueue_dma source(%dma_start3A_18 : memref<624x128xf32, #tpu.memory_space<vmem_shared>>) target(%dma_start3A_16 : memref<624x128xf32, #tpu.memory_space<hbm>>) target_semaphore(%run_scoped3A : memref<!tpu.dma_semaphore, #tpu.memory_space<semaphore_mem>>)
      %dma_wait3A = arith.constant 0 : i32
      %dma_wait3A_19 = tpu.memref_slice %arg5[%arg0, %mul3A_2, %dma_wait3A] : memref<2x10000x128xf32, #tpu.memory_space<hbm>> -> memref<1x624x128xf32, #tpu.memory_space<hbm>>
      %dma_wait3A_20 = tpu.memref_squeeze %dma_wait3A_19 : memref<1x624x128xf32, #tpu.memory_space<hbm>> -> memref<624x128xf32, #tpu.memory_space<hbm>>
      %dma_wait3A_21 = arith.constant 0 : i32
      %dma_wait3A_22 = tpu.memref_slice %arg9[%mul3A_2, %dma_wait3A_21] : memref<10000x128xf32, #tpu.memory_space<vmem_shared>> -> memref<624x128xf32, #tpu.memory_space<vmem_shared>>
      tpu.wait_dma2 semaphore(%run_scoped3A : memref<!tpu.dma_semaphore, #tpu.memory_space<semaphore_mem>>) src(%dma_wait3A_22 : memref<624x128xf32, #tpu.memory_space<vmem_shared>>) dst(%dma_wait3A_20 : memref<624x128xf32, #tpu.memory_space<hbm>>)
      tpu.yield
    }) : () -> ()
    %eq3A_10 = arith.constant 15 : i32
    %eq3A_11 = arith.cmpi eq, %arg1, %eq3A_10 : i32
    %convert_element_type3A_12 = arith.extui %eq3A_11 : i1 to i32
    %cond3A_13 = arith.constant 0 : i32
    %cond3A_14 = arith.cmpi ne, %convert_element_type3A_12, %cond3A_13 : i32
    scf.if %cond3A_14 {
      "tpu.region"() ({
        %run_scoped3A = tpu.sem_alloc : memref<!tpu.dma_semaphore, #tpu.memory_space<semaphore_mem>>
        %dma_start3A = arith.constant 9984 : i32
        %dma_start3A_15 = arith.constant 0 : i32
        %dma_start3A_16 = tpu.memref_slice %arg5[%arg0, %dma_start3A, %dma_start3A_15] : memref<2x10000x128xf32, #tpu.memory_space<hbm>> -> memref<1x16x128xf32, #tpu.memory_space<hbm>>
        %dma_start3A_17 = tpu.memref_squeeze %dma_start3A_16 : memref<1x16x128xf32, #tpu.memory_space<hbm>> -> memref<16x128xf32, #tpu.memory_space<hbm>>
        %dma_start3A_18 = arith.constant 9984 : i32
        %dma_start3A_19 = arith.constant 0 : i32
        %dma_start3A_20 = tpu.memref_slice %arg9[%dma_start3A_18, %dma_start3A_19] : memref<10000x128xf32, #tpu.memory_space<vmem_shared>> -> memref<16x128xf32, #tpu.memory_space<vmem_shared>>
        tpu.enqueue_dma source(%dma_start3A_20 : memref<16x128xf32, #tpu.memory_space<vmem_shared>>) target(%dma_start3A_17 : memref<16x128xf32, #tpu.memory_space<hbm>>) target_semaphore(%run_scoped3A : memref<!tpu.dma_semaphore, #tpu.memory_space<semaphore_mem>>)
        %dma_wait3A = arith.constant 9984 : i32
        %dma_wait3A_21 = arith.constant 0 : i32
        %dma_wait3A_22 = tpu.memref_slice %arg5[%arg0, %dma_wait3A, %dma_wait3A_21] : memref<2x10000x128xf32, #tpu.memory_space<hbm>> -> memref<1x16x128xf32, #tpu.memory_space<hbm>>
        %dma_wait3A_23 = tpu.memref_squeeze %dma_wait3A_22 : memref<1x16x128xf32, #tpu.memory_space<hbm>> -> memref<16x128xf32, #tpu.memory_space<hbm>>
        %dma_wait3A_24 = arith.constant 9984 : i32
        %dma_wait3A_25 = arith.constant 0 : i32
        %dma_wait3A_26 = tpu.memref_slice %arg9[%dma_wait3A_24, %dma_wait3A_25] : memref<10000x128xf32, #tpu.memory_space<vmem_shared>> -> memref<16x128xf32, #tpu.memory_space<vmem_shared>>
        tpu.wait_dma2 semaphore(%run_scoped3A : memref<!tpu.dma_semaphore, #tpu.memory_space<semaphore_mem>>) src(%dma_wait3A_26 : memref<16x128xf32, #tpu.memory_space<vmem_shared>>) dst(%dma_wait3A_23 : memref<16x128xf32, #tpu.memory_space<hbm>>)
        tpu.yield
      }) : () -> ()
    } else {
    }
    return
  }
}

module attributes {stable_mosaic.version = 14 : i64} {
  func.func @_mlp1_body(%arg0: i32, %arg1: memref<2x1000x128xf32, #tpu.memory_space<vmem>>, %arg2: memref<1000x128xf32, #tpu.memory_space<vmem>>, %arg3: memref<128x128xf32, #tpu.memory_space<vmem>>, %arg4: memref<1x128xf32, #tpu.memory_space<vmem>>, %arg5: memref<128x128xf32, #tpu.memory_space<vmem>>, %arg6: memref<1x128xf32, #tpu.memory_space<vmem>>, %arg7: memref<1000x128xf32, #tpu.memory_space<vmem>>, %arg8: memref<1000x128xf32, #tpu.memory_space<vmem>>) attributes {dimension_semantics = [#tpu.dimension_semantics<arbitrary>], iteration_bounds = array<i64: 10>, scalar_prefetch = 0 : i64, scratch_operands = 0 : i64, tpu.core_type = #tpu.core_type<tc>, window_params = [{transform_indices = @transform_0, window_bounds = array<i64: 2, 1000, 128>}, {transform_indices = @transform_1, window_bounds = array<i64: 1000, 128>}, {pipeline_mode = #tpu.pipeline_mode<synchronous>, transform_indices = @transform_2, window_bounds = array<i64: 128, 128>}, {pipeline_mode = #tpu.pipeline_mode<synchronous>, transform_indices = @transform_3, window_bounds = array<i64: 1, 128>}, {pipeline_mode = #tpu.pipeline_mode<synchronous>, transform_indices = @transform_4, window_bounds = array<i64: 128, 128>}, {pipeline_mode = #tpu.pipeline_mode<synchronous>, transform_indices = @transform_5, window_bounds = array<i64: 1, 128>}, {transform_indices = @transform_6, window_bounds = array<i64: 1000, 128>}, {transform_indices = @transform_7, window_bounds = array<i64: 1000, 128>}]} {
    %get3A = arith.constant 0 : index
    %get3A_0 = arith.constant 0 : index
    %get3A_1 = arith.constant 0 : index
    %get3A_2 = vector.load %arg1[%get3A, %get3A_0, %get3A_1] : memref<2x1000x128xf32, #tpu.memory_space<vmem>>, vector<1x1000x128xf32>
    %get3A_3 = vector.shape_cast %get3A_2 : vector<1x1000x128xf32> to vector<1000x128xf32>
    %get3A_4 = arith.constant 1 : index
    %get3A_5 = arith.constant 0 : index
    %get3A_6 = arith.constant 0 : index
    %get3A_7 = vector.load %arg1[%get3A_4, %get3A_5, %get3A_6] : memref<2x1000x128xf32, #tpu.memory_space<vmem>>, vector<1x1000x128xf32>
    %get3A_8 = vector.shape_cast %get3A_7 : vector<1x1000x128xf32> to vector<1000x128xf32>
    %add3A = arith.addf %get3A_3, %get3A_8 : vector<1000x128xf32>
    %get3A_9 = arith.constant 0 : index
    %get3A_10 = arith.constant 0 : index
    %get3A_11 = vector.load %arg2[%get3A_9, %get3A_10] : memref<1000x128xf32, #tpu.memory_space<vmem>>, vector<1000x128xf32>
    %sub3A = arith.subf %add3A, %get3A_11 : vector<1000x128xf32>
    %get3A_12 = arith.constant 0 : index
    %get3A_13 = arith.constant 0 : index
    %get3A_14 = vector.load %arg3[%get3A_12, %get3A_13] : memref<128x128xf32, #tpu.memory_space<vmem>>, vector<128x128xf32>
    %dot_general3A = arith.constant dense<0.000000e+00> : vector<1000x128xf32>
    %dot_general3A_15 = tpu.matmul %sub3A, %get3A_14, %dot_general3A {dimension_numbers = #tpu.dot_dimension_numbers<[1], [0], [0], [1], [0, 0, 1, 1], [], []>, transpose_lhs_hint = false} : vector<1000x128xf32>, vector<128x128xf32>, vector<1000x128xf32> -> vector<1000x128xf32>
    %get3A_16 = arith.constant 0 : index
    %get3A_17 = arith.constant 0 : index
    %get3A_18 = vector.load %arg4[%get3A_16, %get3A_17] : memref<1x128xf32, #tpu.memory_space<vmem>>, vector<1x128xf32>
    %add3A_19 = vector.broadcast %get3A_18 : vector<1x128xf32> to vector<1000x128xf32>
    %add3A_20 = arith.addf %dot_general3A_15, %add3A_19 : vector<1000x128xf32>
    %mul3A = arith.constant 5.000000e-01 : f32
    %mul3A_21 = vector.broadcast %mul3A : f32 to vector<1000x128xf32>
    %mul3A_22 = arith.mulf %mul3A_21, %add3A_20 : vector<1000x128xf32>
    %mul3A_23 = arith.constant 0.707106769 : f32
    %mul3A_24 = vector.broadcast %mul3A_23 : f32 to vector<1000x128xf32>
    %mul3A_25 = arith.mulf %add3A_20, %mul3A_24 : vector<1000x128xf32>
    %erf3A = math.erf %mul3A_25 : vector<1000x128xf32>
    %add3A_26 = arith.constant 1.000000e+00 : f32
    %add3A_27 = vector.broadcast %add3A_26 : f32 to vector<1000x128xf32>
    %add3A_28 = arith.addf %add3A_27, %erf3A : vector<1000x128xf32>
    %mul3A_29 = arith.mulf %mul3A_22, %add3A_28 : vector<1000x128xf32>
    %get3A_30 = arith.constant 0 : index
    %get3A_31 = arith.constant 0 : index
    %get3A_32 = vector.load %arg5[%get3A_30, %get3A_31] : memref<128x128xf32, #tpu.memory_space<vmem>>, vector<128x128xf32>
    %dot_general3A_33 = arith.constant dense<0.000000e+00> : vector<1000x128xf32>
    %dot_general3A_34 = tpu.matmul %mul3A_29, %get3A_32, %dot_general3A_33 {dimension_numbers = #tpu.dot_dimension_numbers<[1], [0], [0], [1], [0, 0, 1, 1], [], []>, transpose_lhs_hint = false} : vector<1000x128xf32>, vector<128x128xf32>, vector<1000x128xf32> -> vector<1000x128xf32>
    %get3A_35 = arith.constant 0 : index
    %get3A_36 = arith.constant 0 : index
    %get3A_37 = vector.load %arg6[%get3A_35, %get3A_36] : memref<1x128xf32, #tpu.memory_space<vmem>>, vector<1x128xf32>
    %add3A_38 = vector.broadcast %get3A_37 : vector<1x128xf32> to vector<1000x128xf32>
    %add3A_39 = arith.addf %dot_general3A_34, %add3A_38 : vector<1000x128xf32>
    %swap3A = arith.constant 0 : index
    %swap3A_40 = arith.constant 0 : index
    %swap3A_41 = vector.load %arg7[%swap3A, %swap3A_40] : memref<1000x128xf32, #tpu.memory_space<vmem>>, vector<1000x128xf32>
    tpu.vector_store %arg7[%swap3A, %swap3A_40], %add3A_39 {strides = array<i32>} : memref<1000x128xf32, #tpu.memory_space<vmem>>, vector<1000x128xf32>,
    %max3A = arith.constant 0.000000e+00 : f32
    %max3A_42 = vector.broadcast %max3A : f32 to vector<1000x128xf32>
    %max3A_43 = arith.maximumf %add3A_39, %max3A_42 : vector<1000x128xf32>
    %swap3A_44 = arith.constant 0 : index
    %swap3A_45 = arith.constant 0 : index
    %swap3A_46 = vector.load %arg8[%swap3A_44, %swap3A_45] : memref<1000x128xf32, #tpu.memory_space<vmem>>, vector<1000x128xf32>
    tpu.vector_store %arg8[%swap3A_44, %swap3A_45], %max3A_43 {strides = array<i32>} : memref<1000x128xf32, #tpu.memory_space<vmem>>, vector<1000x128xf32>,
    return
  }
  func.func @transform_0(%arg0: i32) -> (i32, i32, i32) {
    %c0_i32 = arith.constant 0 : i32
    %c0_i32_0 = arith.constant 0 : i32
    %c0_i32_1 = arith.constant 0 : i32
    return %c0_i32, %arg0, %c0_i32_0 : i32, i32, i32
  }
  func.func @transform_1(%arg0: i32) -> (i32, i32) {
    %c0_i32 = arith.constant 0 : i32
    %c0_i32_0 = arith.constant 0 : i32
    return %arg0, %c0_i32 : i32, i32
  }
  func.func @transform_2(%arg0: i32) -> (i32, i32) {
    %c0_i32 = arith.constant 0 : i32
    %c0_i32_0 = arith.constant 0 : i32
    %c0_i32_1 = arith.constant 0 : i32
    return %c0_i32, %c0_i32_0 : i32, i32
  }
  func.func @transform_3(%arg0: i32) -> (i32, i32) {
    %c0_i32 = arith.constant 0 : i32
    %c0_i32_0 = arith.constant 0 : i32
    %c0_i32_1 = arith.constant 0 : i32
    return %c0_i32, %c0_i32_0 : i32, i32
  }
  func.func @transform_4(%arg0: i32) -> (i32, i32) {
    %c0_i32 = arith.constant 0 : i32
    %c0_i32_0 = arith.constant 0 : i32
    %c0_i32_1 = arith.constant 0 : i32
    return %c0_i32, %c0_i32_0 : i32, i32
  }
  func.func @transform_5(%arg0: i32) -> (i32, i32) {
    %c0_i32 = arith.constant 0 : i32
    %c0_i32_0 = arith.constant 0 : i32
    %c0_i32_1 = arith.constant 0 : i32
    return %c0_i32, %c0_i32_0 : i32, i32
  }
  func.func @transform_6(%arg0: i32) -> (i32, i32) {
    %c0_i32 = arith.constant 0 : i32
    %c0_i32_0 = arith.constant 0 : i32
    return %arg0, %c0_i32 : i32, i32
  }
  func.func @transform_7(%arg0: i32) -> (i32, i32) {
    %c0_i32 = arith.constant 0 : i32
    %c0_i32_0 = arith.constant 0 : i32
    return %arg0, %c0_i32 : i32, i32
  }
}

module attributes {stable_mosaic.version = 14 : i64} {
  func.func @_mlp2_body(%arg0: i32, %arg1: memref<2x1000x128xf32, #tpu.memory_space<vmem>>, %arg2: memref<1000x128xf32, #tpu.memory_space<vmem>>, %arg3: memref<128x128xf32, #tpu.memory_space<vmem>>, %arg4: memref<1x128xf32, #tpu.memory_space<vmem>>, %arg5: memref<128x40xf32, #tpu.memory_space<vmem>>, %arg6: memref<1x40xf32, #tpu.memory_space<vmem>>, %arg7: memref<1000x40xf32, #tpu.memory_space<vmem>>) attributes {dimension_semantics = [#tpu.dimension_semantics<arbitrary>], iteration_bounds = array<i64: 10>, scalar_prefetch = 0 : i64, scratch_operands = 0 : i64, tpu.core_type = #tpu.core_type<tc>, window_params = [{transform_indices = @transform_0, window_bounds = array<i64: 2, 1000, 128>}, {transform_indices = @transform_1, window_bounds = array<i64: 1000, 128>}, {pipeline_mode = #tpu.pipeline_mode<synchronous>, transform_indices = @transform_2, window_bounds = array<i64: 128, 128>}, {pipeline_mode = #tpu.pipeline_mode<synchronous>, transform_indices = @transform_3, window_bounds = array<i64: 1, 128>}, {pipeline_mode = #tpu.pipeline_mode<synchronous>, transform_indices = @transform_4, window_bounds = array<i64: 128, 40>}, {pipeline_mode = #tpu.pipeline_mode<synchronous>, transform_indices = @transform_5, window_bounds = array<i64: 1, 40>}, {transform_indices = @transform_6, window_bounds = array<i64: 1000, 40>}]} {
    %get3A = arith.constant 0 : index
    %get3A_0 = arith.constant 0 : index
    %get3A_1 = arith.constant 0 : index
    %get3A_2 = vector.load %arg1[%get3A, %get3A_0, %get3A_1] : memref<2x1000x128xf32, #tpu.memory_space<vmem>>, vector<1x1000x128xf32>
    %get3A_3 = vector.shape_cast %get3A_2 : vector<1x1000x128xf32> to vector<1000x128xf32>
    %get3A_4 = arith.constant 1 : index
    %get3A_5 = arith.constant 0 : index
    %get3A_6 = arith.constant 0 : index
    %get3A_7 = vector.load %arg1[%get3A_4, %get3A_5, %get3A_6] : memref<2x1000x128xf32, #tpu.memory_space<vmem>>, vector<1x1000x128xf32>
    %get3A_8 = vector.shape_cast %get3A_7 : vector<1x1000x128xf32> to vector<1000x128xf32>
    %add3A = arith.addf %get3A_3, %get3A_8 : vector<1000x128xf32>
    %get3A_9 = arith.constant 0 : index
    %get3A_10 = arith.constant 0 : index
    %get3A_11 = vector.load %arg2[%get3A_9, %get3A_10] : memref<1000x128xf32, #tpu.memory_space<vmem>>, vector<1000x128xf32>
    %sub3A = arith.subf %add3A, %get3A_11 : vector<1000x128xf32>
    %get3A_12 = arith.constant 0 : index
    %get3A_13 = arith.constant 0 : index
    %get3A_14 = vector.load %arg3[%get3A_12, %get3A_13] : memref<128x128xf32, #tpu.memory_space<vmem>>, vector<128x128xf32>
    %dot_general3A = arith.constant dense<0.000000e+00> : vector<1000x128xf32>
    %dot_general3A_15 = tpu.matmul %sub3A, %get3A_14, %dot_general3A {dimension_numbers = #tpu.dot_dimension_numbers<[1], [0], [0], [1], [0, 0, 1, 1], [], []>, transpose_lhs_hint = false} : vector<1000x128xf32>, vector<128x128xf32>, vector<1000x128xf32> -> vector<1000x128xf32>
    %get3A_16 = arith.constant 0 : index
    %get3A_17 = arith.constant 0 : index
    %get3A_18 = vector.load %arg4[%get3A_16, %get3A_17] : memref<1x128xf32, #tpu.memory_space<vmem>>, vector<1x128xf32>
    %add3A_19 = vector.broadcast %get3A_18 : vector<1x128xf32> to vector<1000x128xf32>
    %add3A_20 = arith.addf %dot_general3A_15, %add3A_19 : vector<1000x128xf32>
    %mul3A = arith.constant 5.000000e-01 : f32
    %mul3A_21 = vector.broadcast %mul3A : f32 to vector<1000x128xf32>
    %mul3A_22 = arith.mulf %mul3A_21, %add3A_20 : vector<1000x128xf32>
    %mul3A_23 = arith.constant 0.707106769 : f32
    %mul3A_24 = vector.broadcast %mul3A_23 : f32 to vector<1000x128xf32>
    %mul3A_25 = arith.mulf %add3A_20, %mul3A_24 : vector<1000x128xf32>
    %erf3A = math.erf %mul3A_25 : vector<1000x128xf32>
    %add3A_26 = arith.constant 1.000000e+00 : f32
    %add3A_27 = vector.broadcast %add3A_26 : f32 to vector<1000x128xf32>
    %add3A_28 = arith.addf %add3A_27, %erf3A : vector<1000x128xf32>
    %mul3A_29 = arith.mulf %mul3A_22, %add3A_28 : vector<1000x128xf32>
    %get3A_30 = arith.constant 0 : index
    %get3A_31 = arith.constant 0 : index
    %get3A_32 = vector.load %arg5[%get3A_30, %get3A_31] : memref<128x40xf32, #tpu.memory_space<vmem>>, vector<128x40xf32>
    %dot_general3A_33 = arith.constant dense<0.000000e+00> : vector<1000x40xf32>
    %dot_general3A_34 = tpu.matmul %mul3A_29, %get3A_32, %dot_general3A_33 {dimension_numbers = #tpu.dot_dimension_numbers<[1], [0], [0], [1], [0, 0, 1, 1], [], []>, transpose_lhs_hint = false} : vector<1000x128xf32>, vector<128x40xf32>, vector<1000x40xf32> -> vector<1000x40xf32>
    %get3A_35 = arith.constant 0 : index
    %get3A_36 = arith.constant 0 : index
    %get3A_37 = vector.load %arg6[%get3A_35, %get3A_36] : memref<1x40xf32, #tpu.memory_space<vmem>>, vector<1x40xf32>
    %add3A_38 = vector.broadcast %get3A_37 : vector<1x40xf32> to vector<1000x40xf32>
    %add3A_39 = arith.addf %dot_general3A_34, %add3A_38 : vector<1000x40xf32>
    %swap3A = arith.constant 0 : index
    %swap3A_40 = arith.constant 0 : index
    %swap3A_41 = vector.load %arg7[%swap3A, %swap3A_40] : memref<1000x40xf32, #tpu.memory_space<vmem>>, vector<1000x40xf32>
    tpu.vector_store %arg7[%swap3A, %swap3A_40], %add3A_39 {strides = array<i32>} : memref<1000x40xf32, #tpu.memory_space<vmem>>, vector<1000x40xf32>,
    return
  }
  func.func @transform_0(%arg0: i32) -> (i32, i32, i32) {
    %c0_i32 = arith.constant 0 : i32
    %c0_i32_0 = arith.constant 0 : i32
    %c0_i32_1 = arith.constant 0 : i32
    return %c0_i32, %arg0, %c0_i32_0 : i32, i32, i32
  }
  func.func @transform_1(%arg0: i32) -> (i32, i32) {
    %c0_i32 = arith.constant 0 : i32
    %c0_i32_0 = arith.constant 0 : i32
    return %arg0, %c0_i32 : i32, i32
  }
  func.func @transform_2(%arg0: i32) -> (i32, i32) {
    %c0_i32 = arith.constant 0 : i32
    %c0_i32_0 = arith.constant 0 : i32
    %c0_i32_1 = arith.constant 0 : i32
    return %c0_i32, %c0_i32_0 : i32, i32
  }
  func.func @transform_3(%arg0: i32) -> (i32, i32) {
    %c0_i32 = arith.constant 0 : i32
    %c0_i32_0 = arith.constant 0 : i32
    %c0_i32_1 = arith.constant 0 : i32
    return %c0_i32, %c0_i32_0 : i32, i32
  }
  func.func @transform_4(%arg0: i32) -> (i32, i32) {
    %c0_i32 = arith.constant 0 : i32
    %c0_i32_0 = arith.constant 0 : i32
    %c0_i32_1 = arith.constant 0 : i32
    return %c0_i32, %c0_i32_0 : i32, i32
  }
  func.func @transform_5(%arg0: i32) -> (i32, i32) {
    %c0_i32 = arith.constant 0 : i32
    %c0_i32_0 = arith.constant 0 : i32
    %c0_i32_1 = arith.constant 0 : i32
    return %c0_i32, %c0_i32_0 : i32, i32
  }
  func.func @transform_6(%arg0: i32) -> (i32, i32) {
    %c0_i32 = arith.constant 0 : i32
    %c0_i32_0 = arith.constant 0 : i32
    return %arg0, %c0_i32 : i32, i32
  }
}

</mosaic_0001>

<sc_bundles>
// kernel: kernel.6.cloned.1.call-start
scs
__scs_entry_jumppad:
0x0: {  	(pc) =	sbr.rel $0x88, $3  }
0x1: {  	(tag) =	ssettag $0x0;
	lr =	simm.s32 $0x1  }
0x2: {  	[smem:$0x3F97] =	sst lr;
	_ =	strace $0xD0000000  }
0x3: {  	_ = 	snop  }
0x4: {  	_ = 	snop  }
0x5: {  	_ = 	snop  }
0x6: {  	_ = 	snop  }
0x7: {  	_ = 	snop  }
__scs_overlays_trampoline_lowered:
0x8: {  	[smem:$0x3FA6] =	sst s0  }
0x9: {  	[smem:$0x3FA7] =	sst s1  }
0xa: {  	[smem:$0x3FA8] =	sst s2  }
0xb: {  	[smem:$0x3FA9] =	sst s3  }
0xc: {  	[smem:$0x3FAA] =	sst s4  }
0xd: {  	[smem:$0x3FAB] =	sst s5  }
0xe: {  	[smem:$0x3FAC] =	sst s6  }
0xf: {  	[smem:$0x3FAD] =	sst s7  }
0x10: {  	[smem:$0x3FAE] =	sst s8  }
0x11: {  	[smem:$0x3FAF] =	sst s9;
	s0 =	simm.s32 @!p0 $0x0  }
0x12: {  	s1 =	sld [smem:$0x3F95];
	s0 =	simm.s32 @p0 $0x1  }
0x13: {  	[smem:$0x3FB0] =	sst s0;
	s0 =	simm.s32 @!p1 $0x0  }
0x14: {  	s2 =	sld [smem:$0x3F94];
	s0 =	simm.s32 @p1 $0x1  }
0x15: {  	[smem:$0x3FB1] =	sst s0;
	s0 =	simm.s32 @!p2 $0x0  }
0x16: {  	s3 =	sld [smem:$0x3FDB];
	s0 =	simm.s32 @p2 $0x1  }
0x17: {  	s4 =	simm.s32 $0x1BF5;
	[smem:$0x3FB3] =	sst s0  }
0x18: {  	s0 =	sld [smem:$0x3F96];
	_ =	swait.ge [sflag:s4], $0x0  }
0x19: {  	s7 =	sld [smem:$0x3F97]  }
0x1a: {  	s8 =	sadd.s32 $0xFFFFE003, lr  }
0x1b: {  	s9 =	sadd.s32 $0xFFFFFEF7, lr;
	s5 =	simm.s32 $0xFFFFFFFF;
	p2 =	slt.u32 s8, $0xFFFFF086  }
0x1c: {  	p1 =	slt.u32 s9, $0xF7A;
	s5 =	simm.s32 @!p2 $0x0  }
0x1d: {  	s5 =	simm.s32 @p1 $0x1;
	p0 =	seq.s32 s7, s2  }
0x1e: {  	s7 =	smul.u32 @!p0 $0xF7A, s2;
	p2 =	seq.s32 @!p0 s5, $0x0  }
0x1f: {  	s9 =	smul.u32 $0xF7A, s1;
	s8 =	simm.s32 @!p0 $0x1BF5;
	p2 =	por !p2, p0  }
0x20: {  	[sflag:s8] =	ssyncset.s32 @!p0 $0xFFFFF086;
	s6 =	sadd.s32 @!p0 s3, s7;
	s7 =	simm.s32 @!p0 $0x108  }
0x21: {  	s3 =	sadd.s32 s3, s9;
	s6 =	sadd.s32 @!p0 $0x88, s6;
	s7 =	simm.s32 @p2 $0x1082  }
0x22: {  	[simem:s7], [sflag:s8] =	dma.local @!p0 [hbm:s6], $0xF7A  }
0x23: {  	s9 =	sor.u32 $0xD0000000, s2;
	s6 =	simm.s32 $0x108;
	_ =	swait.ge @!p0 [sflag:s8], $0x0  }
0x24: {  	s3 =	sadd.s32 $0x88, s3;
	s6 =	simm.s32 @!p1 $0x1082;
	[sflag:s4] =	ssyncset.s32 $0xFFFFF086  }
0x25: {  	[simem:s6], [sflag:s4] =	dma.local [hbm:s3], $0xF7A  }
0x26: {  	[smem:$0x3F97] =	sst s1;
	(tag) =	ssettag s2;
	_ =	strace s9  }
0x27: {  	s1 =	sld [smem:$0x3FA7]  }
0x28: {  	s2 =	sld [smem:$0x3FA8]  }
0x29: {  	s4 =	sld [smem:$0x3FAA]  }
0x2a: {  	p0 =	seq.s32 s5, $0x0;
	s5 =	sld [smem:$0x3FAB]  }
0x2b: {  	s6 =	sld [smem:$0x3FAC]  }
0x2c: {  	s7 =	sld [smem:$0x3FAD]  }
0x2d: {  	s3 =	simm.s32 $0x108;
	s8 =	sld [smem:$0x3FAE]  }
0x2e: {  	s3 =	simm.s32 @!p0 $0x1082;
	s9 =	sld [smem:$0x3FAF]  }
0x2f: {  	lr =	sadd.s32 s0, s3;
	s0 =	sld [smem:$0x3FA6]  }
0x30: {  	s3 =	sld [smem:$0x3FA9]  }
0x31: {  	[smem:$0x3FB2] =	sst s10  }
0x32: {  	s10 =	sld [smem:$0x3FB0];
	_ =	sdelay $0x3  }
0x33: {  	p0 =	seq.s32 s10, $0x1;
	s10 =	sld [smem:$0x3FB2];
	_ =	sdelay $0x3  }
0x34: {  	[smem:$0x3FB2] =	sst s10  }
0x35: {  	s10 =	sld [smem:$0x3FB1];
	_ =	sdelay $0x3  }
0x36: {  	p1 =	seq.s32 s10, $0x1;
	s10 =	sld [smem:$0x3FB2];
	_ =	sdelay $0x3  }
0x37: {  	[smem:$0x3FB2] =	sst s10  }
0x38: {  	s10 =	sld [smem:$0x3FB3]  }
0x39: {  	_ = 	snop;
	(pc) =	sbr.ind lr, $3  }
0x3a: {  	_ = 	snop  }
0x3b: {  	_ = 	snop  }
0x3c: {  	p2 =	seq.s32 s10, $0x1;
	s10 =	sld [smem:$0x3FB2]  }
0x3d: {  	_ =	shalt  }
0x3e: {  	_ =	shalt  }
0x3f: {  	_ =	shalt  }
0x40: {  	_ =	shalt  }
0x41: {  	_ =	shalt  }
0x42: {  	_ =	shalt  }
0x43: {  	_ =	shalt  }
0x44: {  	_ =	shalt  }
0x45: {  	_ =	shalt  }
0x46: {  	_ =	shalt  }
0x47: {  	_ =	shalt  }
0x48: {  	_ =	shalt  }
0x49: {  	_ =	shalt  }
0x4a: {  	_ =	shalt  }
0x4b: {  	_ =	shalt  }
0x4c: {  	_ =	shalt  }
0x4d: {  	_ =	shalt  }
0x4e: {  	_ =	shalt  }
0x4f: {  	_ =	shalt  }
0x50: {  	_ =	shalt  }
0x51: {  	_ =	shalt  }
0x52: {  	_ =	shalt  }
0x53: {  	_ =	shalt  }
0x54: {  	_ =	shalt  }
0x55: {  	_ =	shalt  }
0x56: {  	_ =	shalt  }
0x57: {  	_ =	shalt  }
0x58: {  	_ =	shalt  }
0x59: {  	_ =	shalt  }
0x5a: {  	_ =	shalt  }
0x5b: {  	_ =	shalt  }
0x5c: {  	_ =	shalt  }
0x5d: {  	_ =	shalt  }
0x5e: {  	_ =	shalt  }
0x5f: {  	_ =	shalt  }
0x60: {  	_ =	shalt  }
0x61: {  	_ =	shalt  }
0x62: {  	_ =	shalt  }
0x63: {  	_ =	shalt  }
0x64: {  	_ =	shalt  }
0x65: {  	_ =	shalt  }
0x66: {  	_ =	shalt  }
0x67: {  	_ =	shalt  }
0x68: {  	_ =	shalt  }
0x69: {  	_ =	shalt  }
0x6a: {  	_ =	shalt  }
0x6b: {  	_ =	shalt  }
0x6c: {  	_ =	shalt  }
0x6d: {  	_ =	shalt  }
0x6e: {  	_ =	shalt  }
0x6f: {  	_ =	shalt  }
0x70: {  	_ =	shalt  }
0x71: {  	_ =	shalt  }
0x72: {  	_ =	shalt  }
0x73: {  	_ =	shalt  }
0x74: {  	_ =	shalt  }
0x75: {  	_ =	shalt  }
0x76: {  	_ =	shalt  }
0x77: {  	_ =	shalt  }
0x78: {  	_ =	shalt  }
0x79: {  	_ =	shalt  }
0x7a: {  	_ =	shalt  }
0x7b: {  	_ =	shalt  }
0x7c: {  	_ =	shalt  }
0x7d: {  	_ =	shalt  }
0x7e: {  	_ =	shalt  }
0x7f: {  	_ =	shalt  }
0x80: {  	_ =	shalt  }
0x81: {  	_ =	shalt  }
0x82: {  	_ =	shalt  }
0x83: {  	_ =	shalt  }
0x84: {  	_ =	shalt  }
0x85: {  	_ =	shalt  }
0x86: {  	_ =	shalt  }
0x87: {  	_ =	shalt  }
.Lfunc_end0:
.L_simem_size_0:
called_computation_lowered:
.L_overlay_start_0:
0x88: {  	s2 =	sld [smem:$0x3FD9]  }
0x89: {  	s3 =	sld [smem:$0x3FFE];
	_ =	sdelay $0x1  }
0x8a: {  	s1 =	srdreg.scid  }
0x8b: {  	s0 =	sand.u32 $0x1, s1  }
0x8c: {  	s17 =	sshll.u32 s0, $0xA;
	s2 =	sadd.s32 s3, s2  }
0x8d: {  	s2 =	sadd.s32 s2, s17  }
0x8e: {  	[smem:$0x3FBE] =	sst s2  }
0x8f: {  	_ = 	snop  }
0x90: {  	s2 =	sld [smem:$0x3FC9];
	(tm) =	ssettm $0x1  }
0x91: {  	s18 =	sld [smem:$0x3FFB];
	_ =	sdelay $0x3  }
0x92: {  	_ =	strace s18  }
0x93: {  	s3 =	sld [smem:$0x3FFC];
	_ =	sdelay $0x3  }
0x94: {  	_ =	strace s3  }
0x95: {  	s3 =	sld [smem:$0x3FFD];
	_ =	sdelay $0x3  }
0x96: {  	_ =	strace s3  }
0x97: {  	_ =	strace $0x8FFFFFFF  }
0x98: {  	s19 =	sld [smem:$0x3FDB];
	_ =	sdelay $0x1  }
0x99: {  	s4 =	simm.s32 $_scs_section_size  }
0x9a: {  	s5 =	simm.s32 $_size__tile_overlayer_lowered;
	s6 =	simm.s32 $_tile_overlayer_lowered  }
0x9b: {  	s22 =	simm.s32 $0x1BFF;
	s21 =	sshll.u32 s6, $0x1;
	s3 =	sadd.s32 s4, s19  }
0x9c: {  	s7 =	simm.s32 $0x0;
	s20 =	sshll.u32 s5, $0x1;
	s5 =	sadd.s32 s21, s3  }
0x9d: {  	[timem:s7], [sflag:s22] =	dma.local [hbm:s5], s20  }
0x9e: {  	_ =	swait.ge [sflag:s22], s20  }
0x9f: {  	s4 =	ssub.s32 $0x0, s20;
	[sflag:s22] =	ssyncset.done $0x0  }
0xa0: {  	[sflag:s22] =	ssyncadd.s32 s4;
	_ =	sdelay $0x1  }
0xa1: {  	s23 =	simm.s32 $0x1B8B  }
0xa2: {  	_ =	swait.ge [sflag:s23], $0x1  }
0xa3: {  	[sflag:s23] =	ssyncset.done $0x0  }
0xa4: {  	s25 =	simm.s32 $0x1B8E;
	s24 =	sld [smem:$0x3FFE];
	[sflag:s23] =	ssyncadd.s32 $0xFFFFFFFF  }
0xa5: {  	s26 =	simm.s32 $execute0_lowered;
	[smem:$0x3FD2] =	sst s25  }
0xa6: {  	s5 =	sshll.u32 s26, $0x1;
	_ =	strace $0x80000046;
	[dreg:$0x1] =	wrdreg $0xFFFFFFFF  }
0xa7: {  	s28 =	simm.s32 $_size_execute0_lowered;
	s3 =	sadd.s32 s3, s5;
	[dreg:$0x0] =	wrdreg $0x0  }
0xa8: {  	s5 =	sshll.u32 s28, $0x1;
	[dreg:$0x2] =	wrdreg s3  }
0xa9: {  	[dreg:$0x3] =	wrdreg s5  }
0xaa: {  	[dreg:$0x4] =	wrdreg $0xC0  }
0xab: {  	_ =	task [dreg:s7], $0x5FFFF  }
0xac: {  	[dreg:$0x1] =	wrdreg $0xFFFFFFFF  }
0xad: {  	[dreg:$0x0] =	wrdreg $0x60  }
0xae: {  	[dreg:$0x2] =	wrdreg s2  }
0xaf: {  	[dreg:$0x3] =	wrdreg s24  }
0xb0: {  	[dreg:$0x4] =	wrdreg $0xA8000  }
0xb1: {  	[dreg:$0x5] =	wrdreg $0x9  }
0xb2: {  	_ =	task.clear_ibuf [dreg:s7], $0x6FFFF;
	_ =	strace $0x90000046  }
0xb3: {  	s29 =	simm.s32 $0x9;
	_ =	strace $0x80000048  }
0xb4: {  	_ =	swait.ge [sflag:s29], $0x1  }
0xb5: {  	[sflag:s29] =	ssyncadd.s32 $0xFFFFFFFF  }
0xb6: {  	_ =	strace $0x90000048  }
0xb7: {  	_ =	sfence  }
0xb8: {  	s30 =	sld [smem:$0x0];
	_ =	sdelay $0x2  }
0xb9: {  	s31 =	sshll.u32 s1, $0xD;
	s1 =	sshrl.u32 s1, $0x2  }
0xba: {  	s3 =	sand.u32 $0x4000, s31;
	s1 =	sadd.s32 s1, s30  }
0xbb: {  	s0 =	sor.u32 s3, s0;
	s1 =	sshll.u32 s1, $0x11  }
0xbc: {  	s0 =	sor.u32 s1, s0  }
0xbd: {  	s0 =	sadd.s32 $0x8F2B, s0  }
0xbe: {  	[sflag:s0] =	ssyncadd.remote.s32 $0x1  }
0xbf: {  	_ =	sfence.sel $0xFFFF  }
0xc0: {  	[dreg:$0x0] =	wrdreg $0xFFFFFFFF;
	(pc) =	sbr.abs _section_cstart, $3  }
0xc1: {  	[dreg:$0x1] =	wrdreg $0xFFFFFFFF  }
0xc2: {  	_ =	task.clear_ibuf [dreg:s7], $0x2FFFF;
	_ =	strace $0x9FFFFFFF  }
0xc3: {  	(tm) =	ssettm $0x7FFFFFFF  }
tec
execute0_lowered:
.L_overlay_start_1:
0x0: {  	(tag) =	ssettag $0x1  }
0x1: {  	s1 =	rddreg [dreg:$0x0]  }
0x2: {  	s5 =	rddreg [dreg:$0x1]  }
0x3: {  	s3 =	rddreg [dreg:$0x2]  }
0x4: {  	s0 =	rddreg [dreg:$0x3];
	s6 =	srdreg.scid  }
0x5: {  	s4 =	simm.s32 $0x0;
	s2 =	stileid.u32;
	s16 =	simm.s32 $0x4000  }
0x6: {  	s17 =	simm.s32 $0x50;
	s18 =	simm.s32 $0x8000;
	s19 =	simm.s32 $0x1  }
0x7: {  	s20 =	simm.s32 $0x0;
	s6 =	sand.u32 $0x1, s6;
	s26 =	smul.u32 $0x4E000, s2  }
0x8: {  	[smem:$0x7FF] =	sst s4;
	s7 =	sshll.u32 s2, $0xC;
	s10 =	smul.u32 $0x13800, s2  }
0x9: {  	s11 =	sadd.s32 $0x22E00, s5;
	s31 =	sshll.u32 s2, $0x6;
	s15 =	sadd.s32 $0x138000, s3  }
0xa: {  	p0 =	sne.s32 s2, $0xF;
	s8 =	sshll.u32 s6, $0xB;
	_ =	strace $0x80000047  }
0xb: {  	s28 =	ssub.s32 $0x2, s6;
	s14 =	smul.u32 $0x138800, s6;
	s6 =	sor.u32 $0x1C02, s31  }
0xc: {  	s15 =	sshrl.u32 @!p0 s15, $0x3;
	s7 =	sor.u32 s8, s7;
	s29 =	sshrl.u32 s28, $0x1  }
0xd: {  	s8 =	sshrl.u32 s26, $0x2;
	s30 =	sshrl.u32 s10, $0x3;
	s9 =	sadd.s32 s7, s5  }
0xe: {  	s12 =	ssub.s32 s28, s29;
	s13 =	sadd.s32 s8, s3;
	s5 =	sadd.s32 s1, s30  }
0xf: {  	s7 =	sadd.s32 $0x27000, s1;
	s10 =	sadd.s32 s10, s14;
	s14 =	sshrl.u32 s14, $0x3  }
0x10: {  	s8 =	sadd.s32 $0x2E00, s9;
	s9 =	sadd.s32 $0x12E00, s9;
	s10 =	sshrl.u32 s10, $0x3  }
0x11: {  	s14 =	sadd.s32 s11, s14;
	s12 =	smax.u32 s12, $0x1;
	s13 =	sshrl.u32 s13, $0x3  }
0x12: {  	s10 =	sadd.s32 s11, s10;
	s11 =	sadd.s32 $0x27000, s14;
	s14 =	simm.s32 $0x2  }
.LBB2_1:
0x13: {  	[spmem:s13], [sflag:s6] =	dma.local [hbm:s5], $0x2700  }
0x14: {  	_ =	swait.ge [sflag:s14], $0x2700  }
0x15: {  	[sflag:s14] =	ssyncset.done $0x0  }
0x16: {  	s21 =	simm.s32 @!p0 $0x2;
	[sflag:s14] =	ssyncadd.s32 $0xFFFFD900  }
0x17: {  	[spmem:s15], [sflag:s6] =	dma.local @!p0 [hbm:s7], $0x100  }
0x18: {  	_ =	swait.ge @!p0 [sflag:s21], $0x100  }
0x19: {  	[sflag:s21] =	ssyncset.done @!p0 $0x0  }
0x1a: {  	[sflag:s21] =	ssyncadd.s32 @!p0 $0xFFFFFF00  }
0x1b: {  	[tilespmem:s4], [sflag:$0x2] =	stream.linear.gather [hbm4b:s8+s4], $0x3E80, $0x38;
	[tilespmem:$0x1E080] =	vst v63  }
0x1c: {  	_ =	swait.ge [sflag:s14], $0x3E80  }
0x1d: {  	[sflag:s14] =	ssyncset.done $0x0  }
0x1e: {  	[sflag:s14] =	ssyncadd.s32 $0xFFFFC180  }
0x1f: {  	[tilespmem:s16], [sflag:$0x2] =	stream.linear.gather [hbm4b:s9+s4], $0x3E80, $0x38;
	[tilespmem:$0x1E080] =	vst v63  }
0x20: {  	_ =	swait.ge [sflag:s14], $0x3E80  }
0x21: {  	[sflag:s14] =	ssyncset.done $0x0  }
0x22: {  	[sflag:s14] =	ssyncadd.s32 $0xFFFFC180  }
0x23: {  	s30 =	simm.s32 $0x0;
	[bflag:$0x0] =	sbarrier.arrive $0xFFFF  }
0x24: {  	[tilespmem:s18], [sflag:$0x1] =	stream.indirect.gather [hbm4b:s1+s17], $0x80, s30, s17, $0xb8;
	[tilespmem:$0x1E080] =	vst v63  }
0x25: {  	_ =	swait.ge [sflag:s19], $0x2800  }
0x26: {  	[sflag:s19] =	ssyncset.done $0x0  }
0x27: {  	s31 =	simm.s32 $0x4000;
	[sflag:s19] =	ssyncadd.s32 $0xFFFFD800  }
0x28: {  	[spmem:s3] =	stream.indirect.scatter.add.f32 [tilespmem:s18], [sflag:$0x2], $0x80, s31, s17, $0xb8;
	[tilespmem:$0x1E080] =	vst v63  }
0x29: {  	_ =	swait.ge [sflag:s14], $0x2800  }
0x2a: {  	s22 =	simm.s32 $0x400;
	s21 =	simm.s32 $0x200;
	[sflag:s14] =	ssyncset.done $0x0  }
.LBB2_2:
0x2b: {  	s23 =	sshra.s32 s21, $0x2  }
0x2c: {  	[sflag:s14] =	ssyncadd.s32 $0xFFFFD800;
	s21 =	smov.u32 s22;
	s24 =	sadd.s32 $0x200, s22  }
0x2d: {  	[tilespmem:s18], [sflag:$0x1] =	stream.indirect.gather [hbm4b:s1+s17], $0x80, s23, s17, $0xb8;
	[tilespmem:$0x1E080] =	vst v63  }
0x2e: {  	p1 =	sne.s32 s22, $0xF800;
	_ =	swait.ge [sflag:s19], $0x2800  }
.Ltmp0:
0x2f: {  	[sflag:s19] =	ssyncset.done $0x0;
	(pc) =	sbr.rel @p1 .LBB2_2-.Ltmp0, $4  }
0x30: {  	s22 =	sadd.s32 $0x4000, s23;
	[sflag:s19] =	ssyncadd.s32 $0xFFFFD800  }
0x31: {  	[spmem:s3] =	stream.indirect.scatter.add.f32 [tilespmem:s18], [sflag:$0x2], $0x80, s22, s17, $0xb8;
	[tilespmem:$0x1E080] =	vst v63  }
0x32: {  	_ =	swait.ge [sflag:s14], $0x2800  }
0x33: {  	s22 =	smov.u32 s24;
	[sflag:s14] =	ssyncset.done $0x0  }
0x34: {  	s21 =	sshra.s32 s21, $0x2;
	[sflag:s14] =	ssyncadd.s32 $0xFFFFD800  }
0x35: {  	[tilespmem:s18], [sflag:$0x1] =	stream.indirect.gather [hbm4b:s1+s17], $0x80, s21, s17, $0xb8;
	[tilespmem:$0x1E080] =	vst v63  }
0x36: {  	_ =	swait.ge [sflag:s19], $0x2800  }
0x37: {  	[sflag:s19] =	ssyncset.done $0x0  }
0x38: {  	s21 =	sadd.s32 $0x4000, s21;
	[sflag:s19] =	ssyncadd.s32 $0xFFFFD800  }
0x39: {  	[spmem:s3] =	stream.indirect.scatter.add.f32 [tilespmem:s18], [sflag:$0x2], $0x80, s21, s17, $0xb8;
	[tilespmem:$0x1E080] =	vst v63  }
0x3a: {  	_ =	swait.ge [sflag:s14], $0x2800  }
0x3b: {  	[sflag:s14] =	ssyncset.done $0x0  }
0x3c: {  	[sflag:s14] =	ssyncadd.s32 $0xFFFFD800  }
0x3d: {  	[bflag:$0x0] =	sbarrier.arrive $0xFFFF  }
0x3e: {  	[hbm:s10], [sflag:s6] =	dma.local [spmem:s13], $0x2700  }
0x3f: {  	s20 =	sadd.s32 $0x1, s20;
	_ =	swait.ge [sflag:s14], $0x2700  }
0x40: {  	p1 =	sne.s32 s20, s12;
	[sflag:s14] =	ssyncset.done $0x0  }
.Ltmp1:
0x41: {  	s21 =	simm.s32 @!p0 $0x2;
	[sflag:s14] =	ssyncadd.s32 $0xFFFFD900;
	(pc) =	sbr.rel @p1 .LBB2_1-.Ltmp1, $4  }
0x42: {  	[hbm:s11], [sflag:s6] =	dma.local @!p0 [spmem:s15], $0x100  }
0x43: {  	_ =	swait.ge @!p0 [sflag:s21], $0x100  }
0x44: {  	[sflag:s21] =	ssyncset.done @!p0 $0x0  }
0x45: {  	[sflag:s21] =	ssyncadd.s32 @!p0 $0xFFFFFF00  }
0x46: {  	_ =	sfence.sel $0x180000  }
0x47: {  	[bflag:$0x0] =	sbarrier.arrive $0xFFFF  }
0x48: {  	p0 =	sne.s32 s2, $0x0;
	_ =	strace $0x90000047  }
0x49: {  	s0 =	sadd.s32 @!p0 $0x100000, s0;
	[bflag:$0x2] =	sbarrier.arrive $0xFFFF  }
0x4a: {  	[sflag:s0] =	ssyncadd.tile.s32 @!p0 $0x1;
	_ =	shalt  }
.Lfunc_end2:
_tile_overlayer_lowered:
.L_overlay_start_2:
0x4b: {  	(tag) =	ssettag $0x2  }
0x4c: {  	s0 =	rddreg [dreg:$0x0];
	s2 =	stileid.u32  }
0x4d: {  	s1 =	rddreg [dreg:$0x1];
	p0 =	sne.s32 s2, $0x0  }
0x4e: {  	s3 =	rddreg [dreg:$0x2];
	[bflag:$0x3] =	sbarrier.arrive $0xFFFF;
	s2 =	simm.s32 @!p0 $0x1C02  }
0x4f: {  	[timem:s3], [sflag:s2] =	dma.local @!p0 [hbm:s0], s1  }
0x50: {  	s0 =	simm.s32 @!p0 $0x2  }
0x51: {  	_ =	swait.ge @!p0 [sflag:s0], s1  }
0x52: {  	s1 =	ssub.s32 @!p0 $0x0, s1;
	[sflag:s0] =	ssyncset.done @!p0 $0x0  }
0x53: {  	[sflag:s0] =	ssyncadd.s32 @!p0 s1  }
0x54: {  	[bflag:$0x3] =	sbarrier.arrive $0xFFFF  }
0x55: {  	_ =	shalt  }

// kernel: kernel.9.cloned.1.call-start
scs
__scs_entry_jumppad:
0x0: {  	(pc) =	sbr.rel $0x88, $3  }
0x1: {  	(tag) =	ssettag $0x0;
	lr =	simm.s32 $0x1  }
0x2: {  	[smem:$0x3F97] =	sst lr;
	_ =	strace $0xD0000000  }
0x3: {  	_ = 	snop  }
0x4: {  	_ = 	snop  }
0x5: {  	_ = 	snop  }
0x6: {  	_ = 	snop  }
0x7: {  	_ = 	snop  }
__scs_overlays_trampoline_lowered:
0x8: {  	[smem:$0x3FA6] =	sst s0  }
0x9: {  	[smem:$0x3FA7] =	sst s1  }
0xa: {  	[smem:$0x3FA8] =	sst s2  }
0xb: {  	[smem:$0x3FA9] =	sst s3  }
0xc: {  	[smem:$0x3FAA] =	sst s4  }
0xd: {  	[smem:$0x3FAB] =	sst s5  }
0xe: {  	[smem:$0x3FAC] =	sst s6  }
0xf: {  	[smem:$0x3FAD] =	sst s7  }
0x10: {  	[smem:$0x3FAE] =	sst s8  }
0x11: {  	[smem:$0x3FAF] =	sst s9;
	s0 =	simm.s32 @!p0 $0x0  }
0x12: {  	s1 =	sld [smem:$0x3F95];
	s0 =	simm.s32 @p0 $0x1  }
0x13: {  	[smem:$0x3FB0] =	sst s0;
	s0 =	simm.s32 @!p1 $0x0  }
0x14: {  	s2 =	sld [smem:$0x3F94];
	s0 =	simm.s32 @p1 $0x1  }
0x15: {  	[smem:$0x3FB1] =	sst s0;
	s0 =	simm.s32 @!p2 $0x0  }
0x16: {  	s3 =	sld [smem:$0x3FDB];
	s0 =	simm.s32 @p2 $0x1  }
0x17: {  	s4 =	simm.s32 $0x1BF5;
	[smem:$0x3FB3] =	sst s0  }
0x18: {  	s0 =	sld [smem:$0x3F96];
	_ =	swait.ge [sflag:s4], $0x0  }
0x19: {  	s7 =	sld [smem:$0x3F97]  }
0x1a: {  	s8 =	sadd.s32 $0xFFFFE003, lr  }
0x1b: {  	s9 =	sadd.s32 $0xFFFFFEF7, lr;
	s5 =	simm.s32 $0xFFFFFFFF;
	p2 =	slt.u32 s8, $0xFFFFF086  }
0x1c: {  	p1 =	slt.u32 s9, $0xF7A;
	s5 =	simm.s32 @!p2 $0x0  }
0x1d: {  	s5 =	simm.s32 @p1 $0x1;
	p0 =	seq.s32 s7, s2  }
0x1e: {  	s7 =	smul.u32 @!p0 $0xF7A, s2;
	p2 =	seq.s32 @!p0 s5, $0x0  }
0x1f: {  	s9 =	smul.u32 $0xF7A, s1;
	s8 =	simm.s32 @!p0 $0x1BF5;
	p2 =	por !p2, p0  }
0x20: {  	[sflag:s8] =	ssyncset.s32 @!p0 $0xFFFFF086;
	s6 =	sadd.s32 @!p0 s3, s7;
	s7 =	simm.s32 @!p0 $0x108  }
0x21: {  	s3 =	sadd.s32 s3, s9;
	s6 =	sadd.s32 @!p0 $0x88, s6;
	s7 =	simm.s32 @p2 $0x1082  }
0x22: {  	[simem:s7], [sflag:s8] =	dma.local @!p0 [hbm:s6], $0xF7A  }
0x23: {  	s9 =	sor.u32 $0xD0000000, s2;
	s6 =	simm.s32 $0x108;
	_ =	swait.ge @!p0 [sflag:s8], $0x0  }
0x24: {  	s3 =	sadd.s32 $0x88, s3;
	s6 =	simm.s32 @!p1 $0x1082;
	[sflag:s4] =	ssyncset.s32 $0xFFFFF086  }
0x25: {  	[simem:s6], [sflag:s4] =	dma.local [hbm:s3], $0xF7A  }
0x26: {  	[smem:$0x3F97] =	sst s1;
	(tag) =	ssettag s2;
	_ =	strace s9  }
0x27: {  	s1 =	sld [smem:$0x3FA7]  }
0x28: {  	s2 =	sld [smem:$0x3FA8]  }
0x29: {  	s4 =	sld [smem:$0x3FAA]  }
0x2a: {  	p0 =	seq.s32 s5, $0x0;
	s5 =	sld [smem:$0x3FAB]  }
0x2b: {  	s6 =	sld [smem:$0x3FAC]  }
0x2c: {  	s7 =	sld [smem:$0x3FAD]  }
0x2d: {  	s3 =	simm.s32 $0x108;
	s8 =	sld [smem:$0x3FAE]  }
0x2e: {  	s3 =	simm.s32 @!p0 $0x1082;
	s9 =	sld [smem:$0x3FAF]  }
0x2f: {  	lr =	sadd.s32 s0, s3;
	s0 =	sld [smem:$0x3FA6]  }
0x30: {  	s3 =	sld [smem:$0x3FA9]  }
0x31: {  	[smem:$0x3FB2] =	sst s10  }
0x32: {  	s10 =	sld [smem:$0x3FB0];
	_ =	sdelay $0x3  }
0x33: {  	p0 =	seq.s32 s10, $0x1;
	s10 =	sld [smem:$0x3FB2];
	_ =	sdelay $0x3  }
0x34: {  	[smem:$0x3FB2] =	sst s10  }
0x35: {  	s10 =	sld [smem:$0x3FB1];
	_ =	sdelay $0x3  }
0x36: {  	p1 =	seq.s32 s10, $0x1;
	s10 =	sld [smem:$0x3FB2];
	_ =	sdelay $0x3  }
0x37: {  	[smem:$0x3FB2] =	sst s10  }
0x38: {  	s10 =	sld [smem:$0x3FB3]  }
0x39: {  	_ = 	snop;
	(pc) =	sbr.ind lr, $3  }
0x3a: {  	_ = 	snop  }
0x3b: {  	_ = 	snop  }
0x3c: {  	p2 =	seq.s32 s10, $0x1;
	s10 =	sld [smem:$0x3FB2]  }
0x3d: {  	_ =	shalt  }
0x3e: {  	_ =	shalt  }
0x3f: {  	_ =	shalt  }
0x40: {  	_ =	shalt  }
0x41: {  	_ =	shalt  }
0x42: {  	_ =	shalt  }
0x43: {  	_ =	shalt  }
0x44: {  	_ =	shalt  }
0x45: {  	_ =	shalt  }
0x46: {  	_ =	shalt  }
0x47: {  	_ =	shalt  }
0x48: {  	_ =	shalt  }
0x49: {  	_ =	shalt  }
0x4a: {  	_ =	shalt  }
0x4b: {  	_ =	shalt  }
0x4c: {  	_ =	shalt  }
0x4d: {  	_ =	shalt  }
0x4e: {  	_ =	shalt  }
0x4f: {  	_ =	shalt  }
0x50: {  	_ =	shalt  }
0x51: {  	_ =	shalt  }
0x52: {  	_ =	shalt  }
0x53: {  	_ =	shalt  }
0x54: {  	_ =	shalt  }
0x55: {  	_ =	shalt  }
0x56: {  	_ =	shalt  }
0x57: {  	_ =	shalt  }
0x58: {  	_ =	shalt  }
0x59: {  	_ =	shalt  }
0x5a: {  	_ =	shalt  }
0x5b: {  	_ =	shalt  }
0x5c: {  	_ =	shalt  }
0x5d: {  	_ =	shalt  }
0x5e: {  	_ =	shalt  }
0x5f: {  	_ =	shalt  }
0x60: {  	_ =	shalt  }
0x61: {  	_ =	shalt  }
0x62: {  	_ =	shalt  }
0x63: {  	_ =	shalt  }
0x64: {  	_ =	shalt  }
0x65: {  	_ =	shalt  }
0x66: {  	_ =	shalt  }
0x67: {  	_ =	shalt  }
0x68: {  	_ =	shalt  }
0x69: {  	_ =	shalt  }
0x6a: {  	_ =	shalt  }
0x6b: {  	_ =	shalt  }
0x6c: {  	_ =	shalt  }
0x6d: {  	_ =	shalt  }
0x6e: {  	_ =	shalt  }
0x6f: {  	_ =	shalt  }
0x70: {  	_ =	shalt  }
0x71: {  	_ =	shalt  }
0x72: {  	_ =	shalt  }
0x73: {  	_ =	shalt  }
0x74: {  	_ =	shalt  }
0x75: {  	_ =	shalt  }
0x76: {  	_ =	shalt  }
0x77: {  	_ =	shalt  }
0x78: {  	_ =	shalt  }
0x79: {  	_ =	shalt  }
0x7a: {  	_ =	shalt  }
0x7b: {  	_ =	shalt  }
0x7c: {  	_ =	shalt  }
0x7d: {  	_ =	shalt  }
0x7e: {  	_ =	shalt  }
0x7f: {  	_ =	shalt  }
0x80: {  	_ =	shalt  }
0x81: {  	_ =	shalt  }
0x82: {  	_ =	shalt  }
0x83: {  	_ =	shalt  }
0x84: {  	_ =	shalt  }
0x85: {  	_ =	shalt  }
0x86: {  	_ =	shalt  }
0x87: {  	_ =	shalt  }
.Lfunc_end0:
.L_simem_size_0:
called_computation.1_lowered:
.L_overlay_start_0:
0x88: {  	s2 =	sld [smem:$0x3FD9]  }
0x89: {  	s3 =	sld [smem:$0x3FFE];
	_ =	sdelay $0x1  }
0x8a: {  	s1 =	srdreg.scid  }
0x8b: {  	s0 =	sand.u32 $0x1, s1  }
0x8c: {  	s16 =	sshll.u32 s0, $0xA;
	s2 =	sadd.s32 s3, s2  }
0x8d: {  	s2 =	sadd.s32 s2, s16  }
0x8e: {  	[smem:$0x3FBE] =	sst s2  }
0x8f: {  	_ = 	snop  }
0x90: {  	(tm) =	ssettm $0x1  }
0x91: {  	s17 =	sld [smem:$0x3FFB];
	_ =	sdelay $0x3  }
0x92: {  	_ =	strace s17  }
0x93: {  	s2 =	sld [smem:$0x3FFC];
	_ =	sdelay $0x3  }
0x94: {  	_ =	strace s2  }
0x95: {  	s2 =	sld [smem:$0x3FFD];
	_ =	sdelay $0x3  }
0x96: {  	_ =	strace s2  }
0x97: {  	_ =	strace $0x8FFFFFFF  }
0x98: {  	s18 =	sld [smem:$0x3FDB];
	_ =	sdelay $0x1  }
0x99: {  	s19 =	simm.s32 $_scs_section_size  }
0x9a: {  	s4 =	simm.s32 $_size__tile_overlayer_lowered;
	s5 =	simm.s32 $_tile_overlayer_lowered  }
0x9b: {  	s22 =	simm.s32 $0x1BFF;
	s21 =	sshll.u32 s5, $0x1;
	s2 =	sadd.s32 s19, s18  }
0x9c: {  	s6 =	simm.s32 $0x0;
	s20 =	sshll.u32 s4, $0x1;
	s4 =	sadd.s32 s21, s2  }
0x9d: {  	[timem:s6], [sflag:s22] =	dma.local [hbm:s4], s20  }
0x9e: {  	_ =	swait.ge [sflag:s22], s20  }
0x9f: {  	s3 =	ssub.s32 $0x0, s20;
	[sflag:s22] =	ssyncset.done $0x0  }
0xa0: {  	[sflag:s22] =	ssyncadd.s32 s3;
	_ =	sdelay $0x1  }
0xa1: {  	s23 =	simm.s32 $0x1B8B  }
0xa2: {  	_ =	swait.ge [sflag:s23], $0x1  }
0xa3: {  	[sflag:s23] =	ssyncset.done $0x0  }
0xa4: {  	s25 =	simm.s32 $0x1B8E;
	s24 =	sld [smem:$0x3FFE];
	[sflag:s23] =	ssyncadd.s32 $0xFFFFFFFF  }
0xa5: {  	s26 =	simm.s32 $execute0_lowered;
	[smem:$0x3FD2] =	sst s25  }
0xa6: {  	s4 =	sshll.u32 s26, $0x1;
	_ =	strace $0x80000049;
	[dreg:$0x1] =	wrdreg $0xFFFFFFFF  }
0xa7: {  	s28 =	simm.s32 $_size_execute0_lowered;
	s2 =	sadd.s32 s2, s4;
	[dreg:$0x0] =	wrdreg $0x0  }
0xa8: {  	s4 =	sshll.u32 s28, $0x1;
	[dreg:$0x2] =	wrdreg s2  }
0xa9: {  	[dreg:$0x3] =	wrdreg s4  }
0xaa: {  	[dreg:$0x4] =	wrdreg $0xC0  }
0xab: {  	_ =	task [dreg:s6], $0x5FFFF  }
0xac: {  	[dreg:$0x1] =	wrdreg $0xFFFFFFFF  }
0xad: {  	[dreg:$0x0] =	wrdreg $0x60  }
0xae: {  	[dreg:$0x2] =	wrdreg s24  }
0xaf: {  	[dreg:$0x3] =	wrdreg $0xA8000  }
0xb0: {  	[dreg:$0x4] =	wrdreg $0x9  }
0xb1: {  	_ =	task.clear_ibuf [dreg:s6], $0x5FFFF;
	_ =	strace $0x90000049  }
0xb2: {  	s29 =	simm.s32 $0x9;
	_ =	strace $0x8000004B  }
0xb3: {  	_ =	swait.ge [sflag:s29], $0x1  }
0xb4: {  	[sflag:s29] =	ssyncadd.s32 $0xFFFFFFFF  }
0xb5: {  	_ =	strace $0x9000004B  }
0xb6: {  	_ =	sfence  }
0xb7: {  	s30 =	sld [smem:$0x0];
	_ =	sdelay $0x2  }
0xb8: {  	s31 =	sshll.u32 s1, $0xD;
	s1 =	sshrl.u32 s1, $0x2  }
0xb9: {  	s3 =	sand.u32 $0x4000, s31;
	s1 =	sadd.s32 s1, s30  }
0xba: {  	s0 =	sor.u32 s3, s0;
	s1 =	sshll.u32 s1, $0x11  }
0xbb: {  	s0 =	sor.u32 s1, s0  }
0xbc: {  	s0 =	sadd.s32 $0x8F2B, s0  }
0xbd: {  	[sflag:s0] =	ssyncadd.remote.s32 $0x1  }
0xbe: {  	_ =	sfence.sel $0xFFFF  }
0xbf: {  	[dreg:$0x0] =	wrdreg $0xFFFFFFFF;
	(pc) =	sbr.abs _section_cstart, $3  }
0xc0: {  	[dreg:$0x1] =	wrdreg $0xFFFFFFFF  }
0xc1: {  	_ =	task.clear_ibuf [dreg:s6], $0x2FFFF;
	_ =	strace $0x9FFFFFFF  }
0xc2: {  	(tm) =	ssettm $0x7FFFFFFF  }
0xc3: {  	_ =	shalt  }
tec
execute0_lowered:
.L_overlay_start_1:
0x0: {  	(tag) =	ssettag $0x1  }
0x1: {  	s7 =	rddreg [dreg:$0x0]  }
0x2: {  	s1 =	rddreg [dreg:$0x1]  }
0x3: {  	s0 =	rddreg [dreg:$0x2];
	s3 =	simm.s32 $0x0;
	s4 =	srdreg.scid  }
0x4: {  	s2 =	stileid.u32;
	s16 =	simm.s32 $0x4000;
	s17 =	simm.s32 $0x50  }
0x5: {  	s18 =	simm.s32 $0x8000;
	s19 =	simm.s32 $0x1;
	s20 =	simm.s32 $0x0  }
0x6: {  	[smem:$0x7FF] =	sst s3;
	s6 =	sand.u32 $0x1, s4;
	s28 =	smul.u32 $0x4E000, s2  }
0x7: {  	s5 =	sshll.u32 s2, $0xC;
	s4 =	sadd.s32 $0x22E00, s7;
	s10 =	smul.u32 $0x13800, s2  }
0x8: {  	s11 =	sadd.s32 $0x4A000, s7;
	s31 =	sshll.u32 s2, $0x6;
	s15 =	sadd.s32 $0x138000, s1  }
0x9: {  	p0 =	sne.s32 s2, $0xF;
	_ =	strace $0x8000004A;
	s8 =	sshll.u32 s6, $0xB  }
0xa: {  	s29 =	ssub.s32 $0x2, s6;
	s14 =	smul.u32 $0x138800, s6;
	s6 =	sor.u32 $0x1C02, s31  }
0xb: {  	s15 =	sshrl.u32 @!p0 s15, $0x3;
	s5 =	sor.u32 s8, s5;
	s12 =	sshrl.u32 s29, $0x1  }
0xc: {  	s8 =	sshrl.u32 s28, $0x2;
	s30 =	sshrl.u32 s10, $0x3;
	s9 =	sadd.s32 s5, s7  }
0xd: {  	s12 =	ssub.s32 s29, s12;
	s13 =	sadd.s32 s8, s1;
	s5 =	sadd.s32 s4, s30  }
0xe: {  	s7 =	sadd.s32 $0x49E00, s7;
	s10 =	sadd.s32 s10, s14;
	s14 =	sshrl.u32 s14, $0x3  }
0xf: {  	s8 =	sadd.s32 $0x2E00, s9;
	s9 =	sadd.s32 $0x12E00, s9;
	s10 =	sshrl.u32 s10, $0x3  }
0x10: {  	s14 =	sadd.s32 s11, s14;
	s12 =	smax.u32 s12, $0x1;
	s13 =	sshrl.u32 s13, $0x3  }
0x11: {  	s10 =	sadd.s32 s11, s10;
	s11 =	sadd.s32 $0x27000, s14;
	s14 =	simm.s32 $0x2  }
.LBB2_1:
0x12: {  	[spmem:s13], [sflag:s6] =	dma.local [hbm:s5], $0x2700  }
0x13: {  	_ =	swait.ge [sflag:s14], $0x2700  }
0x14: {  	[sflag:s14] =	ssyncset.done $0x0  }
0x15: {  	s21 =	simm.s32 @!p0 $0x2;
	[sflag:s14] =	ssyncadd.s32 $0xFFFFD900  }
0x16: {  	[spmem:s15], [sflag:s6] =	dma.local @!p0 [hbm:s7], $0x100  }
0x17: {  	_ =	swait.ge @!p0 [sflag:s21], $0x100  }
0x18: {  	[sflag:s21] =	ssyncset.done @!p0 $0x0  }
0x19: {  	[sflag:s21] =	ssyncadd.s32 @!p0 $0xFFFFFF00  }
0x1a: {  	[tilespmem:s3], [sflag:$0x2] =	stream.linear.gather [hbm4b:s8+s3], $0x3E80, $0x38;
	[tilespmem:$0x1E080] =	vst v63  }
0x1b: {  	_ =	swait.ge [sflag:s14], $0x3E80  }
0x1c: {  	[sflag:s14] =	ssyncset.done $0x0  }
0x1d: {  	[sflag:s14] =	ssyncadd.s32 $0xFFFFC180  }
0x1e: {  	[tilespmem:s16], [sflag:$0x2] =	stream.linear.gather [hbm4b:s9+s3], $0x3E80, $0x38;
	[tilespmem:$0x1E080] =	vst v63  }
0x1f: {  	_ =	swait.ge [sflag:s14], $0x3E80  }
0x20: {  	[sflag:s14] =	ssyncset.done $0x0  }
0x21: {  	[sflag:s14] =	ssyncadd.s32 $0xFFFFC180  }
0x22: {  	s30 =	simm.s32 $0x0;
	[bflag:$0x0] =	sbarrier.arrive $0xFFFF  }
0x23: {  	[tilespmem:s18], [sflag:$0x1] =	stream.indirect.gather [hbm4b:s4+s17], $0x80, s30, s17, $0xb8;
	[tilespmem:$0x1E080] =	vst v63  }
0x24: {  	_ =	swait.ge [sflag:s19], $0x2800  }
0x25: {  	[sflag:s19] =	ssyncset.done $0x0  }
0x26: {  	s31 =	simm.s32 $0x4000;
	[sflag:s19] =	ssyncadd.s32 $0xFFFFD800  }
0x27: {  	[spmem:s1] =	stream.indirect.scatter.add.f32 [tilespmem:s18], [sflag:$0x2], $0x80, s31, s17, $0xb8;
	[tilespmem:$0x1E080] =	vst v63  }
0x28: {  	_ =	swait.ge [sflag:s14], $0x2800  }
0x29: {  	s22 =	simm.s32 $0x400;
	s21 =	simm.s32 $0x200;
	[sflag:s14] =	ssyncset.done $0x0  }
.LBB2_2:
0x2a: {  	s23 =	sshra.s32 s21, $0x2  }
0x2b: {  	[sflag:s14] =	ssyncadd.s32 $0xFFFFD800;
	s21 =	smov.u32 s22;
	s24 =	sadd.s32 $0x200, s22  }
0x2c: {  	[tilespmem:s18], [sflag:$0x1] =	stream.indirect.gather [hbm4b:s4+s17], $0x80, s23, s17, $0xb8;
	[tilespmem:$0x1E080] =	vst v63  }
0x2d: {  	p1 =	sne.s32 s22, $0xF800;
	_ =	swait.ge [sflag:s19], $0x2800  }
.Ltmp0:
0x2e: {  	[sflag:s19] =	ssyncset.done $0x0;
	(pc) =	sbr.rel @p1 .LBB2_2-.Ltmp0, $4  }
0x2f: {  	s22 =	sadd.s32 $0x4000, s23;
	[sflag:s19] =	ssyncadd.s32 $0xFFFFD800  }
0x30: {  	[spmem:s1] =	stream.indirect.scatter.add.f32 [tilespmem:s18], [sflag:$0x2], $0x80, s22, s17, $0xb8;
	[tilespmem:$0x1E080] =	vst v63  }
0x31: {  	_ =	swait.ge [sflag:s14], $0x2800  }
0x32: {  	s22 =	smov.u32 s24;
	[sflag:s14] =	ssyncset.done $0x0  }
0x33: {  	s21 =	sshra.s32 s21, $0x2;
	[sflag:s14] =	ssyncadd.s32 $0xFFFFD800  }
0x34: {  	[tilespmem:s18], [sflag:$0x1] =	stream.indirect.gather [hbm4b:s4+s17], $0x80, s21, s17, $0xb8;
	[tilespmem:$0x1E080] =	vst v63  }
0x35: {  	_ =	swait.ge [sflag:s19], $0x2800  }
0x36: {  	[sflag:s19] =	ssyncset.done $0x0  }
0x37: {  	s21 =	sadd.s32 $0x4000, s21;
	[sflag:s19] =	ssyncadd.s32 $0xFFFFD800  }
0x38: {  	[spmem:s1] =	stream.indirect.scatter.add.f32 [tilespmem:s18], [sflag:$0x2], $0x80, s21, s17, $0xb8;
	[tilespmem:$0x1E080] =	vst v63  }
0x39: {  	_ =	swait.ge [sflag:s14], $0x2800  }
0x3a: {  	[sflag:s14] =	ssyncset.done $0x0  }
0x3b: {  	[sflag:s14] =	ssyncadd.s32 $0xFFFFD800  }
0x3c: {  	[bflag:$0x0] =	sbarrier.arrive $0xFFFF  }
0x3d: {  	[hbm:s10], [sflag:s6] =	dma.local [spmem:s13], $0x2700  }
0x3e: {  	s20 =	sadd.s32 $0x1, s20;
	_ =	swait.ge [sflag:s14], $0x2700  }
0x3f: {  	p1 =	sne.s32 s20, s12;
	[sflag:s14] =	ssyncset.done $0x0  }
.Ltmp1:
0x40: {  	s21 =	simm.s32 @!p0 $0x2;
	[sflag:s14] =	ssyncadd.s32 $0xFFFFD900;
	(pc) =	sbr.rel @p1 .LBB2_1-.Ltmp1, $4  }
0x41: {  	[hbm:s11], [sflag:s6] =	dma.local @!p0 [spmem:s15], $0x100  }
0x42: {  	_ =	swait.ge @!p0 [sflag:s21], $0x100  }
0x43: {  	[sflag:s21] =	ssyncset.done @!p0 $0x0  }
0x44: {  	[sflag:s21] =	ssyncadd.s32 @!p0 $0xFFFFFF00  }
0x45: {  	_ =	sfence.sel $0x180000  }
0x46: {  	[bflag:$0x0] =	sbarrier.arrive $0xFFFF  }
0x47: {  	p0 =	sne.s32 s2, $0x0;
	_ =	strace $0x9000004A  }
0x48: {  	s0 =	sadd.s32 @!p0 $0x100000, s0;
	[bflag:$0x2] =	sbarrier.arrive $0xFFFF  }
0x49: {  	[sflag:s0] =	ssyncadd.tile.s32 @!p0 $0x1;
	_ =	shalt  }
.Lfunc_end2:
_tile_overlayer_lowered:
.L_overlay_start_2:
0x4a: {  	(tag) =	ssettag $0x2  }
0x4b: {  	s0 =	rddreg [dreg:$0x0];
	s2 =	stileid.u32  }
0x4c: {  	s1 =	rddreg [dreg:$0x1];
	p0 =	sne.s32 s2, $0x0  }
0x4d: {  	s3 =	rddreg [dreg:$0x2];
	[bflag:$0x3] =	sbarrier.arrive $0xFFFF;
	s2 =	simm.s32 @!p0 $0x1C02  }
0x4e: {  	[timem:s3], [sflag:s2] =	dma.local @!p0 [hbm:s0], s1  }
0x4f: {  	s0 =	simm.s32 @!p0 $0x2  }
0x50: {  	_ =	swait.ge @!p0 [sflag:s0], s1  }
0x51: {  	s1 =	ssub.s32 @!p0 $0x0, s1;
	[sflag:s0] =	ssyncset.done @!p0 $0x0  }
0x52: {  	[sflag:s0] =	ssyncadd.s32 @!p0 s1  }
0x53: {  	[bflag:$0x3] =	sbarrier.arrive $0xFFFF  }
0x54: {  	_ =	shalt  }

</sc_bundles>
